<compile_context>
chip_gen: v7x
topology: tpu7x:2x2x1
jax: 0.10.2.dev20260603
libtpu: 0.0.44.dev20260713+nightly
codegen_flags: <defaults>
</compile_context>

<pallas_src>
import functools

import jax
import jax.numpy as jnp
from jax import lax
from jax.experimental import pallas as pl
from jax.experimental.pallas import tpu as pltpu
from jax.experimental.pallas import tpu_sc as plsc

VOCAB = 1000000
DIM = 64
B = 4096
L = 200

NC = 2
NS = 16
NW = NC * NS
SEQ_PER_W = B // NW


GRP = 2
NGRP = SEQ_PER_W // GRP
GROWS = GRP * L
NBUF = 3


def _pool_body(idx_hbm, table_hbm, out_hbm, idx_v, buf0, buf1, buf2, out_v,
               sem0, sem1, sem2):
    c = lax.axis_index("c")
    s = lax.axis_index("s")
    wid = s * NC + c

    pltpu.sync_copy(idx_hbm.at[pl.ds(wid * SEQ_PER_W * L, SEQ_PER_W * L)],
                    idx_v)

    bufs = ((buf0, sem0), (buf1, sem1), (buf2, sem2))

    def fire(g, j):
        buf, sem = bufs[j]
        pltpu.async_copy(table_hbm.at[idx_v.at[pl.ds(g * GROWS, GROWS)]],
                         buf, sem)

    def drain(j):
        buf, sem = bufs[j]
        pltpu.make_async_copy(table_hbm.at[idx_v.at[pl.ds(0, GROWS)]],
                              buf, sem).wait()

    def consume(g, j):
        buf, _ = bufs[j]
        drain(j)
        for k in range(GRP):
            seq = GRP * g + k
            base = k * L

            def acc_step(r, acc):
                r0 = base + 2 * r
                return tuple(
                    acc[i] + buf[r0 + i // 4, pl.ds(16 * (i % 4), 16)]
                    for i in range(8))

            zero = jnp.zeros((16,), jnp.float32)
            a = lax.fori_loop(0, L // 2, acc_step, (zero,) * 8)
            for d in range(4):
                out_v[seq, pl.ds(16 * d, 16)] = a[d] + a[d + 4]

    for j in range(NBUF):
        fire(j, j)

    def outer(go, carry):
        for j in range(NBUF):
            g = NBUF * go + j
            consume(g, j)

            @pl.when(g + NBUF < NGRP)
            def _():
                fire(g + NBUF, j)
        return carry

    lax.fori_loop(0, NGRP // NBUF, outer, 0)
    consume(NGRP - 1, (NGRP - 1) % NBUF)
    pltpu.sync_copy(out_v, out_hbm.at[pl.ds(wid * SEQ_PER_W, SEQ_PER_W)])


@functools.partial(jax.jit, static_argnames=())
def _sc_pool(idx_arr, emb_table):
    mesh = plsc.VectorSubcoreMesh(core_axis_name="c", subcore_axis_name="s")
    return pl.kernel(
        _pool_body,
        mesh=mesh,
        compiler_params=pltpu.CompilerParams(use_tc_tiling_on_sc=False),
        out_type=jax.ShapeDtypeStruct((B, DIM), jnp.float32),
        scratch_types=[
            pltpu.VMEM((SEQ_PER_W * L,), jnp.int32),
            pltpu.VMEM((GROWS, DIM), jnp.float32),
            pltpu.VMEM((GROWS, DIM), jnp.float32),
            pltpu.VMEM((GROWS, DIM), jnp.float32),
            pltpu.VMEM((SEQ_PER_W, DIM), jnp.float32),
            pltpu.SemaphoreType.DMA,
            pltpu.SemaphoreType.DMA,
            pltpu.SemaphoreType.DMA,
        ],
    )(idx_arr, emb_table)


def _mm_body(x_ref, wt_ref, b_ref, o_ref):
    o_ref[...] = jnp.dot(x_ref[...], wt_ref[...],
                         preferred_element_type=jnp.float32) + b_ref[...]


def _tc_linear(pooled, wt, b2d):
    return pl.pallas_call(
        _mm_body,
        out_shape=jax.ShapeDtypeStruct((B, DIM), jnp.float32),
    )(pooled, wt, b2d)


def kernel(tokens, emb_table, W, b):
    pooled = _sc_pool(tokens.reshape(B * L), emb_table)
    wt = (W.T * (1.0 / L)).astype(jnp.float32)
    return _tc_linear(pooled, wt, b.reshape(1, DIM))

# --- scband reference (transcript-rebuilt; emitter-appended) ---
"""Pipeline reference for scband-text-encoder-57655640982061 (READ-ONLY COPY).

The authoritative reference and input builder live on the scoring server;
editing this copy changes nothing except your own understanding.
"""

import jax, jax.numpy as jnp
import numpy as np

VOCAB = 1000000
DIM = 64
B = 4096
L = 200

def setup_inputs(seed: int = 0) -> dict:
    key = jax.random.key(seed)
    k_tok, k_emb, k_w, k_b = jax.random.split(key, 4)
    tokens = jax.random.randint(k_tok, (B, L), 0, VOCAB, dtype=jnp.int64 if jax.config.jax_enable_x64 else jnp.int32).astype(jnp.int32)
    emb_table = jax.random.normal(k_emb, (VOCAB, DIM), dtype=jnp.float32) * 0.02
    W = jax.random.normal(k_w, (DIM, DIM), dtype=jnp.float32) * (1.0 / np.sqrt(DIM))
    b = jax.random.normal(k_b, (DIM,), dtype=jnp.float32) * 0.01
    return {"tokens": tokens, "emb_table": emb_table, "W": W, "b": b}

def reference(tokens, emb_table, W, b):
    # e = self.emb(tokens)  -> gather rows from embedding table
    e = jnp.take(emb_table, tokens, axis=0)          # [B, L, DIM]
    # e = e.mean(dim=1)
    e = jnp.mean(e, axis=1)                           # [B, DIM]
    # return self.fc(e)  -> linear: e @ W.T + b
    return e @ W.T + b                                # [B, DIM]

if __name__ == "__main__":
    import jax
    _d = setup_inputs()
    print(jax.jit(kernel)(*tuple(_d.values())))

</pallas_src>

<mosaic_0001>
#map = affine_map<(d0, d1) -> (0)>
#map1 = affine_map<(d0, d1) -> (0, 0)>
module attributes {stable_mosaic.version = 14 : i64} {
  func.func @_pool_body(%arg0: i32, %arg1: i32, %arg2: memref<819200xi32, #tpu.memory_space<hbm>>, %arg3: memref<1000000x64xf32, #tpu.memory_space<hbm>>, %arg4: memref<4096x64xf32, #tpu.memory_space<hbm>>, %arg5: memref<25600xi32, #tpu.memory_space<vmem>>, %arg6: memref<400x64xf32, #tpu.memory_space<vmem>>, %arg7: memref<400x64xf32, #tpu.memory_space<vmem>>, %arg8: memref<400x64xf32, #tpu.memory_space<vmem>>, %arg9: memref<128x64xf32, #tpu.memory_space<vmem>>, %arg10: memref<!tpu.dma_semaphore, #tpu.memory_space<semaphore_mem>>, %arg11: memref<!tpu.dma_semaphore, #tpu.memory_space<semaphore_mem>>, %arg12: memref<!tpu.dma_semaphore, #tpu.memory_space<semaphore_mem>>) attributes {dimension_semantics = [#tpu.dimension_semantics<core_parallel>, #tpu.dimension_semantics<subcore_parallel>], iteration_bounds = array<i64: 2, 16>, scalar_prefetch = 0 : i64, scratch_operands = 8 : i64, tpu.core_type = #tpu.core_type<sc_vector_subcore>, window_params = [{transform_indices = #map}, {transform_indices = #map1}, {transform_indices = #map1}]} {
    %mul3A = arith.constant 2 : i32
    %mul3A_0 = arith.muli %arg1, %mul3A : i32
    %add3A = arith.addi %mul3A_0, %arg0 : i32
    %mul3A_1 = arith.constant 128 : i32
    %mul3A_2 = arith.muli %add3A, %mul3A_1 : i32
    %mul3A_3 = arith.constant 200 : i32
    %mul3A_4 = arith.muli %mul3A_2, %mul3A_3 : i32
    "tpu.region"() ({
      %run_scoped3A = tpu.sem_alloc : memref<!tpu.dma_semaphore, #tpu.memory_space<semaphore_mem>>
      %dma_start3A_100 = tpu.memref_slice %arg2[%mul3A_4] : memref<819200xi32, #tpu.memory_space<hbm>> -> memref<25600xi32, #tpu.memory_space<hbm>>
      %dma_start3A_101 = tpu.memref_slice %arg2[%mul3A_4] : memref<819200xi32, #tpu.memory_space<hbm>> -> memref<25600xi32, #tpu.memory_space<hbm>>
      tpu.enqueue_dma source(%dma_start3A_101 : memref<25600xi32, #tpu.memory_space<hbm>>) target(%arg5 : memref<25600xi32, #tpu.memory_space<vmem>>) target_semaphore(%run_scoped3A : memref<!tpu.dma_semaphore, #tpu.memory_space<semaphore_mem>>)
      %dma_wait3A_102 = tpu.memref_slice %arg2[%mul3A_4] : memref<819200xi32, #tpu.memory_space<hbm>> -> memref<25600xi32, #tpu.memory_space<hbm>>
      %dma_wait3A_103 = tpu.memref_slice %arg2[%mul3A_4] : memref<819200xi32, #tpu.memory_space<hbm>> -> memref<25600xi32, #tpu.memory_space<hbm>>
      tpu.wait_dma2 semaphore(%run_scoped3A : memref<!tpu.dma_semaphore, #tpu.memory_space<semaphore_mem>>) src(%dma_wait3A_103 : memref<25600xi32, #tpu.memory_space<hbm>>) dst(%arg5 : memref<25600xi32, #tpu.memory_space<vmem>>)
      tpu.yield
    }) : () -> ()
    %dma_start3A = arith.constant 0 : i32
    %dma_start3A_5 = tpu.memref_slice %arg5[%dma_start3A] : memref<25600xi32, #tpu.memory_space<vmem>> -> memref<400xi32, #tpu.memory_space<vmem>>
    %dma_start3A_6 = arith.constant 0 : i32
    %dma_start3A_7 = arith.constant 0 : i32
    %dma_start3A_8 = tpu.memref_slice %arg3[%dma_start3A_6, %dma_start3A_7] : memref<1000000x64xf32, #tpu.memory_space<hbm>> -> memref<1000000x64xf32, #tpu.memory_space<hbm>>
    tpu.enqueue_indirect_dma source(%dma_start3A_8 : memref<1000000x64xf32, #tpu.memory_space<hbm>>) target(%arg6 : memref<400x64xf32, #tpu.memory_space<vmem>>) offsets(%dma_start3A_5 : memref<400xi32, #tpu.memory_space<vmem>>) semaphore(%arg10 : memref<!tpu.dma_semaphore, #tpu.memory_space<semaphore_mem>>)
    %dma_start3A_9 = arith.constant 400 : i32
    %dma_start3A_10 = tpu.memref_slice %arg5[%dma_start3A_9] : memref<25600xi32, #tpu.memory_space<vmem>> -> memref<400xi32, #tpu.memory_space<vmem>>
    %dma_start3A_11 = arith.constant 0 : i32
    %dma_start3A_12 = arith.constant 0 : i32
    %dma_start3A_13 = tpu.memref_slice %arg3[%dma_start3A_11, %dma_start3A_12] : memref<1000000x64xf32, #tpu.memory_space<hbm>> -> memref<1000000x64xf32, #tpu.memory_space<hbm>>
    tpu.enqueue_indirect_dma source(%dma_start3A_13 : memref<1000000x64xf32, #tpu.memory_space<hbm>>) target(%arg7 : memref<400x64xf32, #tpu.memory_space<vmem>>) offsets(%dma_start3A_10 : memref<400xi32, #tpu.memory_space<vmem>>) semaphore(%arg11 : memref<!tpu.dma_semaphore, #tpu.memory_space<semaphore_mem>>)
    %dma_start3A_14 = arith.constant 800 : i32
    %dma_start3A_15 = tpu.memref_slice %arg5[%dma_start3A_14] : memref<25600xi32, #tpu.memory_space<vmem>> -> memref<400xi32, #tpu.memory_space<vmem>>
    %dma_start3A_16 = arith.constant 0 : i32
    %dma_start3A_17 = arith.constant 0 : i32
    %dma_start3A_18 = tpu.memref_slice %arg3[%dma_start3A_16, %dma_start3A_17] : memref<1000000x64xf32, #tpu.memory_space<hbm>> -> memref<1000000x64xf32, #tpu.memory_space<hbm>>
    tpu.enqueue_indirect_dma source(%dma_start3A_18 : memref<1000000x64xf32, #tpu.memory_space<hbm>>) target(%arg8 : memref<400x64xf32, #tpu.memory_space<vmem>>) offsets(%dma_start3A_15 : memref<400xi32, #tpu.memory_space<vmem>>) semaphore(%arg12 : memref<!tpu.dma_semaphore, #tpu.memory_space<semaphore_mem>>)
    %scan3A = arith.constant 0 : i32
    %scan3A_19 = arith.constant 0 : i32
    %scan3A_20 = arith.constant 21 : i32
    %scan3A_21 = arith.addi %scan3A_19, %scan3A_20 : i32
    %scan3A_22 = arith.constant 1 : i32
    scf.for %scan3A_100 = %scan3A_19 to %scan3A_21 step %scan3A_22  : i32 {
      %mul3A_101 = arith.constant 3 : i32
      %mul3A_102 = arith.muli %mul3A_101, %scan3A_100 : i32
      %add3A_103 = arith.constant 0 : i32
      %add3A_104 = arith.addi %mul3A_102, %add3A_103 : i32
      %dma_wait3A_105 = arith.constant 0 : i32
      %dma_wait3A_106 = tpu.memref_slice %arg5[%dma_wait3A_105] : memref<25600xi32, #tpu.memory_space<vmem>> -> memref<400xi32, #tpu.memory_space<vmem>>
      %dma_wait3A_107 = arith.constant 0 : i32
      %dma_wait3A_108 = arith.constant 0 : i32
      %dma_wait3A_109 = tpu.memref_slice %arg3[%dma_wait3A_107, %dma_wait3A_108] : memref<1000000x64xf32, #tpu.memory_space<hbm>> -> memref<1000000x64xf32, #tpu.memory_space<hbm>>
      tpu.wait_indirect_dma semaphore(%arg10 : memref<!tpu.dma_semaphore, #tpu.memory_space<semaphore_mem>>) src(%dma_wait3A_109 : memref<1000000x64xf32, #tpu.memory_space<hbm>>) dst(%arg6 : memref<400x64xf32, #tpu.memory_space<vmem>>)
      %mul3A_110 = arith.constant 2 : i32
      %mul3A_111 = arith.muli %mul3A_110, %add3A_104 : i32
      %add3A_112 = arith.constant 0 : i32
      %add3A_113 = arith.addi %mul3A_111, %add3A_112 : i32
      %broadcast_in_dim3A_114 = arith.constant 0.000000e+00 : f32
      %broadcast_in_dim3A_115 = vector.broadcast %broadcast_in_dim3A_114 : f32 to vector<16xf32>
      %scan3A_116 = arith.constant 0 : i32
      %scan3A_117 = arith.constant 100 : i32
      %scan3A_118 = arith.addi %scan3A_116, %scan3A_117 : i32
      %scan3A_119 = arith.constant 1 : i32
      %scan3A_120:8 = scf.for %scan3A_362 = %scan3A_116 to %scan3A_118 step %scan3A_119 iter_args(%scan3A_363 = %broadcast_in_dim3A_115, %scan3A_364 = %broadcast_in_dim3A_115, %scan3A_365 = %broadcast_in_dim3A_115, %scan3A_366 = %broadcast_in_dim3A_115, %scan3A_367 = %broadcast_in_dim3A_115, %scan3A_368 = %broadcast_in_dim3A_115, %scan3A_369 = %broadcast_in_dim3A_115, %scan3A_370 = %broadcast_in_dim3A_115) -> (vector<16xf32>, vector<16xf32>, vector<16xf32>, vector<16xf32>, vector<16xf32>, vector<16xf32>, vector<16xf32>, vector<16xf32>)  : i32 {
        %mul3A_371 = arith.constant 2 : i32
        %mul3A_372 = arith.muli %mul3A_371, %scan3A_362 : i32
        %add3A_373 = arith.constant 0 : i32
        %add3A_374 = arith.addi %add3A_373, %mul3A_372 : i32
        %add3A_375 = arith.constant 0 : i32
        %add3A_376 = arith.addi %add3A_374, %add3A_375 : i32
        %get3A = arith.index_cast %add3A_376 : i32 to index
        %get3A_377 = arith.constant 0 : index
        %get3A_378 = tpu.vector_load %arg6[%get3A, %get3A_377] {strides = array<i32>} : memref<400x64xf32, #tpu.memory_space<vmem>>, vector<1x16xf32>,
        %get3A_379 = vector.shape_cast %get3A_378 : vector<1x16xf32> to vector<16xf32>
        %add3A_380 = arith.addf %scan3A_363, %get3A_379 : vector<16xf32>
        %add3A_381 = arith.constant 0 : i32
        %add3A_382 = arith.addi %add3A_374, %add3A_381 : i32
        %get3A_383 = arith.index_cast %add3A_382 : i32 to index
        %get3A_384 = arith.constant 16 : index
        %get3A_385 = tpu.vector_load %arg6[%get3A_383, %get3A_384] {strides = array<i32>} : memref<400x64xf32, #tpu.memory_space<vmem>>, vector<1x16xf32>,
        %get3A_386 = vector.shape_cast %get3A_385 : vector<1x16xf32> to vector<16xf32>
        %add3A_387 = arith.addf %scan3A_364, %get3A_386 : vector<16xf32>
        %add3A_388 = arith.constant 0 : i32
        %add3A_389 = arith.addi %add3A_374, %add3A_388 : i32
        %get3A_390 = arith.index_cast %add3A_389 : i32 to index
        %get3A_391 = arith.constant 32 : index
        %get3A_392 = tpu.vector_load %arg6[%get3A_390, %get3A_391] {strides = array<i32>} : memref<400x64xf32, #tpu.memory_space<vmem>>, vector<1x16xf32>,
        %get3A_393 = vector.shape_cast %get3A_392 : vector<1x16xf32> to vector<16xf32>
        %add3A_394 = arith.addf %scan3A_365, %get3A_393 : vector<16xf32>
        %add3A_395 = arith.constant 0 : i32
        %add3A_396 = arith.addi %add3A_374, %add3A_395 : i32
        %get3A_397 = arith.index_cast %add3A_396 : i32 to index
        %get3A_398 = arith.constant 48 : index
        %get3A_399 = tpu.vector_load %arg6[%get3A_397, %get3A_398] {strides = array<i32>} : memref<400x64xf32, #tpu.memory_space<vmem>>, vector<1x16xf32>,
        %get3A_400 = vector.shape_cast %get3A_399 : vector<1x16xf32> to vector<16xf32>
        %add3A_401 = arith.addf %scan3A_366, %get3A_400 : vector<16xf32>
        %add3A_402 = arith.constant 1 : i32
        %add3A_403 = arith.addi %add3A_374, %add3A_402 : i32
        %get3A_404 = arith.index_cast %add3A_403 : i32 to index
        %get3A_405 = arith.constant 0 : index
        %get3A_406 = tpu.vector_load %arg6[%get3A_404, %get3A_405] {strides = array<i32>} : memref<400x64xf32, #tpu.memory_space<vmem>>, vector<1x16xf32>,
        %get3A_407 = vector.shape_cast %get3A_406 : vector<1x16xf32> to vector<16xf32>
        %add3A_408 = arith.addf %scan3A_367, %get3A_407 : vector<16xf32>
        %add3A_409 = arith.constant 1 : i32
        %add3A_410 = arith.addi %add3A_374, %add3A_409 : i32
        %get3A_411 = arith.index_cast %add3A_410 : i32 to index
        %get3A_412 = arith.constant 16 : index
        %get3A_413 = tpu.vector_load %arg6[%get3A_411, %get3A_412] {strides = array<i32>} : memref<400x64xf32, #tpu.memory_space<vmem>>, vector<1x16xf32>,
        %get3A_414 = vector.shape_cast %get3A_413 : vector<1x16xf32> to vector<16xf32>
        %add3A_415 = arith.addf %scan3A_368, %get3A_414 : vector<16xf32>
        %add3A_416 = arith.constant 1 : i32
        %add3A_417 = arith.addi %add3A_374, %add3A_416 : i32
        %get3A_418 = arith.index_cast %add3A_417 : i32 to index
        %get3A_419 = arith.constant 32 : index
        %get3A_420 = tpu.vector_load %arg6[%get3A_418, %get3A_419] {strides = array<i32>} : memref<400x64xf32, #tpu.memory_space<vmem>>, vector<1x16xf32>,
        %get3A_421 = vector.shape_cast %get3A_420 : vector<1x16xf32> to vector<16xf32>
        %add3A_422 = arith.addf %scan3A_369, %get3A_421 : vector<16xf32>
        %add3A_423 = arith.constant 1 : i32
        %add3A_424 = arith.addi %add3A_374, %add3A_423 : i32
        %get3A_425 = arith.index_cast %add3A_424 : i32 to index
        %get3A_426 = arith.constant 48 : index
        %get3A_427 = tpu.vector_load %arg6[%get3A_425, %get3A_426] {strides = array<i32>} : memref<400x64xf32, #tpu.memory_space<vmem>>, vector<1x16xf32>,
        %get3A_428 = vector.shape_cast %get3A_427 : vector<1x16xf32> to vector<16xf32>
        %add3A_429 = arith.addf %scan3A_370, %get3A_428 : vector<16xf32>
        scf.yield %add3A_380, %add3A_387, %add3A_394, %add3A_401, %add3A_408, %add3A_415, %add3A_422, %add3A_429 : vector<16xf32>, vector<16xf32>, vector<16xf32>, vector<16xf32>, vector<16xf32>, vector<16xf32>, vector<16xf32>, vector<16xf32>
      }
      %scan3A_121 = arith.constant 100 : i32
      %add3A_122 = arith.addf %scan3A_120#0, %scan3A_120#4 : vector<16xf32>
      %swap3A_123 = arith.index_cast %add3A_113 : i32 to index
      %swap3A_124 = arith.constant 0 : index
      %swap3A_125 = tpu.vector_load %arg9[%swap3A_123, %swap3A_124] {strides = array<i32>} : memref<128x64xf32, #tpu.memory_space<vmem>>, vector<1x16xf32>,
      %swap3A_126 = vector.shape_cast %swap3A_125 : vector<1x16xf32> to vector<16xf32>
      %swap3A_127 = vector.shape_cast %add3A_122 : vector<16xf32> to vector<1x16xf32>
      tpu.vector_store %arg9[%swap3A_123, %swap3A_124], %swap3A_127 {strides = array<i32>} : memref<128x64xf32, #tpu.memory_space<vmem>>, vector<1x16xf32>,
      %add3A_128 = arith.addf %scan3A_120#1, %scan3A_120#5 : vector<16xf32>
      %swap3A_129 = arith.index_cast %add3A_113 : i32 to index
      %swap3A_130 = arith.constant 16 : index
      %swap3A_131 = tpu.vector_load %arg9[%swap3A_129, %swap3A_130] {strides = array<i32>} : memref<128x64xf32, #tpu.memory_space<vmem>>, vector<1x16xf32>,
      %swap3A_132 = vector.shape_cast %swap3A_131 : vector<1x16xf32> to vector<16xf32>
      %swap3A_133 = vector.shape_cast %add3A_128 : vector<16xf32> to vector<1x16xf32>
      tpu.vector_store %arg9[%swap3A_129, %swap3A_130], %swap3A_133 {strides = array<i32>} : memref<128x64xf32, #tpu.memory_space<vmem>>, vector<1x16xf32>,
      %add3A_134 = arith.addf %scan3A_120#2, %scan3A_120#6 : vector<16xf32>
      %swap3A_135 = arith.index_cast %add3A_113 : i32 to index
      %swap3A_136 = arith.constant 32 : index
      %swap3A_137 = tpu.vector_load %arg9[%swap3A_135, %swap3A_136] {strides = array<i32>} : memref<128x64xf32, #tpu.memory_space<vmem>>, vector<1x16xf32>,
      %swap3A_138 = vector.shape_cast %swap3A_137 : vector<1x16xf32> to vector<16xf32>
      %swap3A_139 = vector.shape_cast %add3A_134 : vector<16xf32> to vector<1x16xf32>
      tpu.vector_store %arg9[%swap3A_135, %swap3A_136], %swap3A_139 {strides = array<i32>} : memref<128x64xf32, #tpu.memory_space<vmem>>, vector<1x16xf32>,
      %add3A_140 = arith.addf %scan3A_120#3, %scan3A_120#7 : vector<16xf32>
      %swap3A_141 = arith.index_cast %add3A_113 : i32 to index
      %swap3A_142 = arith.constant 48 : index
      %swap3A_143 = tpu.vector_load %arg9[%swap3A_141, %swap3A_142] {strides = array<i32>} : memref<128x64xf32, #tpu.memory_space<vmem>>, vector<1x16xf32>,
      %swap3A_144 = vector.shape_cast %swap3A_143 : vector<1x16xf32> to vector<16xf32>
      %swap3A_145 = vector.shape_cast %add3A_140 : vector<16xf32> to vector<1x16xf32>
      tpu.vector_store %arg9[%swap3A_141, %swap3A_142], %swap3A_145 {strides = array<i32>} : memref<128x64xf32, #tpu.memory_space<vmem>>, vector<1x16xf32>,
      %mul3A_146 = arith.constant 2 : i32
      %mul3A_147 = arith.muli %mul3A_146, %add3A_104 : i32
      %add3A_148 = arith.constant 1 : i32
      %add3A_149 = arith.addi %mul3A_147, %add3A_148 : i32
      %broadcast_in_dim3A_150 = arith.constant 0.000000e+00 : f32
      %broadcast_in_dim3A_151 = vector.broadcast %broadcast_in_dim3A_150 : f32 to vector<16xf32>
      %scan3A_152 = arith.constant 0 : i32
      %scan3A_153 = arith.constant 100 : i32
      %scan3A_154 = arith.addi %scan3A_152, %scan3A_153 : i32
      %scan3A_155 = arith.constant 1 : i32
      %scan3A_156:8 = scf.for %scan3A_362 = %scan3A_152 to %scan3A_154 step %scan3A_155 iter_args(%scan3A_363 = %broadcast_in_dim3A_151, %scan3A_364 = %broadcast_in_dim3A_151, %scan3A_365 = %broadcast_in_dim3A_151, %scan3A_366 = %broadcast_in_dim3A_151, %scan3A_367 = %broadcast_in_dim3A_151, %scan3A_368 = %broadcast_in_dim3A_151, %scan3A_369 = %broadcast_in_dim3A_151, %scan3A_370 = %broadcast_in_dim3A_151) -> (vector<16xf32>, vector<16xf32>, vector<16xf32>, vector<16xf32>, vector<16xf32>, vector<16xf32>, vector<16xf32>, vector<16xf32>)  : i32 {
        %mul3A_371 = arith.constant 2 : i32
        %mul3A_372 = arith.muli %mul3A_371, %scan3A_362 : i32
        %add3A_373 = arith.constant 200 : i32
        %add3A_374 = arith.addi %add3A_373, %mul3A_372 : i32
        %add3A_375 = arith.constant 0 : i32
        %add3A_376 = arith.addi %add3A_374, %add3A_375 : i32
        %get3A = arith.index_cast %add3A_376 : i32 to index
        %get3A_377 = arith.constant 0 : index
        %get3A_378 = tpu.vector_load %arg6[%get3A, %get3A_377] {strides = array<i32>} : memref<400x64xf32, #tpu.memory_space<vmem>>, vector<1x16xf32>,
        %get3A_379 = vector.shape_cast %get3A_378 : vector<1x16xf32> to vector<16xf32>
        %add3A_380 = arith.addf %scan3A_363, %get3A_379 : vector<16xf32>
        %add3A_381 = arith.constant 0 : i32
        %add3A_382 = arith.addi %add3A_374, %add3A_381 : i32
        %get3A_383 = arith.index_cast %add3A_382 : i32 to index
        %get3A_384 = arith.constant 16 : index
        %get3A_385 = tpu.vector_load %arg6[%get3A_383, %get3A_384] {strides = array<i32>} : memref<400x64xf32, #tpu.memory_space<vmem>>, vector<1x16xf32>,
        %get3A_386 = vector.shape_cast %get3A_385 : vector<1x16xf32> to vector<16xf32>
        %add3A_387 = arith.addf %scan3A_364, %get3A_386 : vector<16xf32>
        %add3A_388 = arith.constant 0 : i32
        %add3A_389 = arith.addi %add3A_374, %add3A_388 : i32
        %get3A_390 = arith.index_cast %add3A_389 : i32 to index
        %get3A_391 = arith.constant 32 : index
        %get3A_392 = tpu.vector_load %arg6[%get3A_390, %get3A_391] {strides = array<i32>} : memref<400x64xf32, #tpu.memory_space<vmem>>, vector<1x16xf32>,
        %get3A_393 = vector.shape_cast %get3A_392 : vector<1x16xf32> to vector<16xf32>
        %add3A_394 = arith.addf %scan3A_365, %get3A_393 : vector<16xf32>
        %add3A_395 = arith.constant 0 : i32
        %add3A_396 = arith.addi %add3A_374, %add3A_395 : i32
        %get3A_397 = arith.index_cast %add3A_396 : i32 to index
        %get3A_398 = arith.constant 48 : index
        %get3A_399 = tpu.vector_load %arg6[%get3A_397, %get3A_398] {strides = array<i32>} : memref<400x64xf32, #tpu.memory_space<vmem>>, vector<1x16xf32>,
        %get3A_400 = vector.shape_cast %get3A_399 : vector<1x16xf32> to vector<16xf32>
        %add3A_401 = arith.addf %scan3A_366, %get3A_400 : vector<16xf32>
        %add3A_402 = arith.constant 1 : i32
        %add3A_403 = arith.addi %add3A_374, %add3A_402 : i32
        %get3A_404 = arith.index_cast %add3A_403 : i32 to index
        %get3A_405 = arith.constant 0 : index
        %get3A_406 = tpu.vector_load %arg6[%get3A_404, %get3A_405] {strides = array<i32>} : memref<400x64xf32, #tpu.memory_space<vmem>>, vector<1x16xf32>,
        %get3A_407 = vector.shape_cast %get3A_406 : vector<1x16xf32> to vector<16xf32>
        %add3A_408 = arith.addf %scan3A_367, %get3A_407 : vector<16xf32>
        %add3A_409 = arith.constant 1 : i32
        %add3A_410 = arith.addi %add3A_374, %add3A_409 : i32
        %get3A_411 = arith.index_cast %add3A_410 : i32 to index
        %get3A_412 = arith.constant 16 : index
        %get3A_413 = tpu.vector_load %arg6[%get3A_411, %get3A_412] {strides = array<i32>} : memref<400x64xf32, #tpu.memory_space<vmem>>, vector<1x16xf32>,
        %get3A_414 = vector.shape_cast %get3A_413 : vector<1x16xf32> to vector<16xf32>
        %add3A_415 = arith.addf %scan3A_368, %get3A_414 : vector<16xf32>
        %add3A_416 = arith.constant 1 : i32
        %add3A_417 = arith.addi %add3A_374, %add3A_416 : i32
        %get3A_418 = arith.index_cast %add3A_417 : i32 to index
        %get3A_419 = arith.constant 32 : index
        %get3A_420 = tpu.vector_load %arg6[%get3A_418, %get3A_419] {strides = array<i32>} : memref<400x64xf32, #tpu.memory_space<vmem>>, vector<1x16xf32>,
        %get3A_421 = vector.shape_cast %get3A_420 : vector<1x16xf32> to vector<16xf32>
        %add3A_422 = arith.addf %scan3A_369, %get3A_421 : vector<16xf32>
        %add3A_423 = arith.constant 1 : i32
        %add3A_424 = arith.addi %add3A_374, %add3A_423 : i32
        %get3A_425 = arith.index_cast %add3A_424 : i32 to index
        %get3A_426 = arith.constant 48 : index
        %get3A_427 = tpu.vector_load %arg6[%get3A_425, %get3A_426] {strides = array<i32>} : memref<400x64xf32, #tpu.memory_space<vmem>>, vector<1x16xf32>,
        %get3A_428 = vector.shape_cast %get3A_427 : vector<1x16xf32> to vector<16xf32>
        %add3A_429 = arith.addf %scan3A_370, %get3A_428 : vector<16xf32>
        scf.yield %add3A_380, %add3A_387, %add3A_394, %add3A_401, %add3A_408, %add3A_415, %add3A_422, %add3A_429 : vector<16xf32>, vector<16xf32>, vector<16xf32>, vector<16xf32>, vector<16xf32>, vector<16xf32>, vector<16xf32>, vector<16xf32>
      }
      %scan3A_157 = arith.constant 100 : i32
      %add3A_158 = arith.addf %scan3A_156#0, %scan3A_156#4 : vector<16xf32>
      %swap3A_159 = arith.index_cast %add3A_149 : i32 to index
      %swap3A_160 = arith.constant 0 : index
      %swap3A_161 = tpu.vector_load %arg9[%swap3A_159, %swap3A_160] {strides = array<i32>} : memref<128x64xf32, #tpu.memory_space<vmem>>, vector<1x16xf32>,
      %swap3A_162 = vector.shape_cast %swap3A_161 : vector<1x16xf32> to vector<16xf32>
      %swap3A_163 = vector.shape_cast %add3A_158 : vector<16xf32> to vector<1x16xf32>
      tpu.vector_store %arg9[%swap3A_159, %swap3A_160], %swap3A_163 {strides = array<i32>} : memref<128x64xf32, #tpu.memory_space<vmem>>, vector<1x16xf32>,
      %add3A_164 = arith.addf %scan3A_156#1, %scan3A_156#5 : vector<16xf32>
      %swap3A_165 = arith.index_cast %add3A_149 : i32 to index
      %swap3A_166 = arith.constant 16 : index
      %swap3A_167 = tpu.vector_load %arg9[%swap3A_165, %swap3A_166] {strides = array<i32>} : memref<128x64xf32, #tpu.memory_space<vmem>>, vector<1x16xf32>,
      %swap3A_168 = vector.shape_cast %swap3A_167 : vector<1x16xf32> to vector<16xf32>
      %swap3A_169 = vector.shape_cast %add3A_164 : vector<16xf32> to vector<1x16xf32>
      tpu.vector_store %arg9[%swap3A_165, %swap3A_166], %swap3A_169 {strides = array<i32>} : memref<128x64xf32, #tpu.memory_space<vmem>>, vector<1x16xf32>,
      %add3A_170 = arith.addf %scan3A_156#2, %scan3A_156#6 : vector<16xf32>
      %swap3A_171 = arith.index_cast %add3A_149 : i32 to index
      %swap3A_172 = arith.constant 32 : index
      %swap3A_173 = tpu.vector_load %arg9[%swap3A_171, %swap3A_172] {strides = array<i32>} : memref<128x64xf32, #tpu.memory_space<vmem>>, vector<1x16xf32>,
      %swap3A_174 = vector.shape_cast %swap3A_173 : vector<1x16xf32> to vector<16xf32>
      %swap3A_175 = vector.shape_cast %add3A_170 : vector<16xf32> to vector<1x16xf32>
      tpu.vector_store %arg9[%swap3A_171, %swap3A_172], %swap3A_175 {strides = array<i32>} : memref<128x64xf32, #tpu.memory_space<vmem>>, vector<1x16xf32>,
      %add3A_176 = arith.addf %scan3A_156#3, %scan3A_156#7 : vector<16xf32>
      %swap3A_177 = arith.index_cast %add3A_149 : i32 to index
      %swap3A_178 = arith.constant 48 : index
      %swap3A_179 = tpu.vector_load %arg9[%swap3A_177, %swap3A_178] {strides = array<i32>} : memref<128x64xf32, #tpu.memory_space<vmem>>, vector<1x16xf32>,
      %swap3A_180 = vector.shape_cast %swap3A_179 : vector<1x16xf32> to vector<16xf32>
      %swap3A_181 = vector.shape_cast %add3A_176 : vector<16xf32> to vector<1x16xf32>
      tpu.vector_store %arg9[%swap3A_177, %swap3A_178], %swap3A_181 {strides = array<i32>} : memref<128x64xf32, #tpu.memory_space<vmem>>, vector<1x16xf32>,
      %add3A_182 = arith.constant 3 : i32
      %add3A_183 = arith.addi %add3A_104, %add3A_182 : i32
      %lt3A = arith.constant 64 : i32
      %lt3A_184 = arith.cmpi slt, %add3A_183, %lt3A : i32
      %convert_element_type3A = arith.extui %lt3A_184 : i1 to i32
      %cond3A = arith.constant 0 : i32
      %cond3A_185 = arith.cmpi ne, %convert_element_type3A, %cond3A : i32
      scf.if %cond3A_185 {
        %add3A_362 = arith.constant 3 : i32
        %add3A_363 = arith.addi %add3A_104, %add3A_362 : i32
        %mul3A_364 = arith.constant 400 : i32
        %mul3A_365 = arith.muli %add3A_363, %mul3A_364 : i32
        %dma_start3A_366 = tpu.memref_slice %arg5[%mul3A_365] : memref<25600xi32, #tpu.memory_space<vmem>> -> memref<400xi32, #tpu.memory_space<vmem>>
        %dma_start3A_367 = arith.constant 0 : i32
        %dma_start3A_368 = arith.constant 0 : i32
        %dma_start3A_369 = tpu.memref_slice %arg3[%dma_start3A_367, %dma_start3A_368] : memref<1000000x64xf32, #tpu.memory_space<hbm>> -> memref<1000000x64xf32, #tpu.memory_space<hbm>>
        tpu.enqueue_indirect_dma source(%dma_start3A_369 : memref<1000000x64xf32, #tpu.memory_space<hbm>>) target(%arg6 : memref<400x64xf32, #tpu.memory_space<vmem>>) offsets(%dma_start3A_366 : memref<400xi32, #tpu.memory_space<vmem>>) semaphore(%arg10 : memref<!tpu.dma_semaphore, #tpu.memory_space<semaphore_mem>>)
      } else {
      }
      %mul3A_186 = arith.constant 3 : i32
      %mul3A_187 = arith.muli %mul3A_186, %scan3A_100 : i32
      %add3A_188 = arith.constant 1 : i32
      %add3A_189 = arith.addi %mul3A_187, %add3A_188 : i32
      %dma_wait3A_190 = arith.constant 0 : i32
      %dma_wait3A_191 = tpu.memref_slice %arg5[%dma_wait3A_190] : memref<25600xi32, #tpu.memory_space<vmem>> -> memref<400xi32, #tpu.memory_space<vmem>>
      %dma_wait3A_192 = arith.constant 0 : i32
      %dma_wait3A_193 = arith.constant 0 : i32
      %dma_wait3A_194 = tpu.memref_slice %arg3[%dma_wait3A_192, %dma_wait3A_193] : memref<1000000x64xf32, #tpu.memory_space<hbm>> -> memref<1000000x64xf32, #tpu.memory_space<hbm>>
      tpu.wait_indirect_dma semaphore(%arg11 : memref<!tpu.dma_semaphore, #tpu.memory_space<semaphore_mem>>) src(%dma_wait3A_194 : memref<1000000x64xf32, #tpu.memory_space<hbm>>) dst(%arg7 : memref<400x64xf32, #tpu.memory_space<vmem>>)
      %mul3A_195 = arith.constant 2 : i32
      %mul3A_196 = arith.muli %mul3A_195, %add3A_189 : i32
      %add3A_197 = arith.constant 0 : i32
      %add3A_198 = arith.addi %mul3A_196, %add3A_197 : i32
      %broadcast_in_dim3A_199 = arith.constant 0.000000e+00 : f32
      %broadcast_in_dim3A_200 = vector.broadcast %broadcast_in_dim3A_199 : f32 to vector<16xf32>
      %scan3A_201 = arith.constant 0 : i32
      %scan3A_202 = arith.constant 100 : i32
      %scan3A_203 = arith.addi %scan3A_201, %scan3A_202 : i32
      %scan3A_204 = arith.constant 1 : i32
      %scan3A_205:8 = scf.for %scan3A_362 = %scan3A_201 to %scan3A_203 step %scan3A_204 iter_args(%scan3A_363 = %broadcast_in_dim3A_200, %scan3A_364 = %broadcast_in_dim3A_200, %scan3A_365 = %broadcast_in_dim3A_200, %scan3A_366 = %broadcast_in_dim3A_200, %scan3A_367 = %broadcast_in_dim3A_200, %scan3A_368 = %broadcast_in_dim3A_200, %scan3A_369 = %broadcast_in_dim3A_200, %scan3A_370 = %broadcast_in_dim3A_200) -> (vector<16xf32>, vector<16xf32>, vector<16xf32>, vector<16xf32>, vector<16xf32>, vector<16xf32>, vector<16xf32>, vector<16xf32>)  : i32 {
        %mul3A_371 = arith.constant 2 : i32
        %mul3A_372 = arith.muli %mul3A_371, %scan3A_362 : i32
        %add3A_373 = arith.constant 0 : i32
        %add3A_374 = arith.addi %add3A_373, %mul3A_372 : i32
        %add3A_375 = arith.constant 0 : i32
        %add3A_376 = arith.addi %add3A_374, %add3A_375 : i32
        %get3A = arith.index_cast %add3A_376 : i32 to index
        %get3A_377 = arith.constant 0 : index
        %get3A_378 = tpu.vector_load %arg7[%get3A, %get3A_377] {strides = array<i32>} : memref<400x64xf32, #tpu.memory_space<vmem>>, vector<1x16xf32>,
        %get3A_379 = vector.shape_cast %get3A_378 : vector<1x16xf32> to vector<16xf32>
        %add3A_380 = arith.addf %scan3A_363, %get3A_379 : vector<16xf32>
        %add3A_381 = arith.constant 0 : i32
        %add3A_382 = arith.addi %add3A_374, %add3A_381 : i32
        %get3A_383 = arith.index_cast %add3A_382 : i32 to index
        %get3A_384 = arith.constant 16 : index
        %get3A_385 = tpu.vector_load %arg7[%get3A_383, %get3A_384] {strides = array<i32>} : memref<400x64xf32, #tpu.memory_space<vmem>>, vector<1x16xf32>,
        %get3A_386 = vector.shape_cast %get3A_385 : vector<1x16xf32> to vector<16xf32>
        %add3A_387 = arith.addf %scan3A_364, %get3A_386 : vector<16xf32>
        %add3A_388 = arith.constant 0 : i32
        %add3A_389 = arith.addi %add3A_374, %add3A_388 : i32
        %get3A_390 = arith.index_cast %add3A_389 : i32 to index
        %get3A_391 = arith.constant 32 : index
        %get3A_392 = tpu.vector_load %arg7[%get3A_390, %get3A_391] {strides = array<i32>} : memref<400x64xf32, #tpu.memory_space<vmem>>, vector<1x16xf32>,
        %get3A_393 = vector.shape_cast %get3A_392 : vector<1x16xf32> to vector<16xf32>
        %add3A_394 = arith.addf %scan3A_365, %get3A_393 : vector<16xf32>
        %add3A_395 = arith.constant 0 : i32
        %add3A_396 = arith.addi %add3A_374, %add3A_395 : i32
        %get3A_397 = arith.index_cast %add3A_396 : i32 to index
        %get3A_398 = arith.constant 48 : index
        %get3A_399 = tpu.vector_load %arg7[%get3A_397, %get3A_398] {strides = array<i32>} : memref<400x64xf32, #tpu.memory_space<vmem>>, vector<1x16xf32>,
        %get3A_400 = vector.shape_cast %get3A_399 : vector<1x16xf32> to vector<16xf32>
        %add3A_401 = arith.addf %scan3A_366, %get3A_400 : vector<16xf32>
        %add3A_402 = arith.constant 1 : i32
        %add3A_403 = arith.addi %add3A_374, %add3A_402 : i32
        %get3A_404 = arith.index_cast %add3A_403 : i32 to index
        %get3A_405 = arith.constant 0 : index
        %get3A_406 = tpu.vector_load %arg7[%get3A_404, %get3A_405] {strides = array<i32>} : memref<400x64xf32, #tpu.memory_space<vmem>>, vector<1x16xf32>,
        %get3A_407 = vector.shape_cast %get3A_406 : vector<1x16xf32> to vector<16xf32>
        %add3A_408 = arith.addf %scan3A_367, %get3A_407 : vector<16xf32>
        %add3A_409 = arith.constant 1 : i32
        %add3A_410 = arith.addi %add3A_374, %add3A_409 : i32
        %get3A_411 = arith.index_cast %add3A_410 : i32 to index
        %get3A_412 = arith.constant 16 : index
        %get3A_413 = tpu.vector_load %arg7[%get3A_411, %get3A_412] {strides = array<i32>} : memref<400x64xf32, #tpu.memory_space<vmem>>, vector<1x16xf32>,
        %get3A_414 = vector.shape_cast %get3A_413 : vector<1x16xf32> to vector<16xf32>
        %add3A_415 = arith.addf %scan3A_368, %get3A_414 : vector<16xf32>
        %add3A_416 = arith.constant 1 : i32
        %add3A_417 = arith.addi %add3A_374, %add3A_416 : i32
        %get3A_418 = arith.index_cast %add3A_417 : i32 to index
        %get3A_419 = arith.constant 32 : index
        %get3A_420 = tpu.vector_load %arg7[%get3A_418, %get3A_419] {strides = array<i32>} : memref<400x64xf32, #tpu.memory_space<vmem>>, vector<1x16xf32>,
        %get3A_421 = vector.shape_cast %get3A_420 : vector<1x16xf32> to vector<16xf32>
        %add3A_422 = arith.addf %scan3A_369, %get3A_421 : vector<16xf32>
        %add3A_423 = arith.constant 1 : i32
        %add3A_424 = arith.addi %add3A_374, %add3A_423 : i32
        %get3A_425 = arith.index_cast %add3A_424 : i32 to index
        %get3A_426 = arith.constant 48 : index
        %get3A_427 = tpu.vector_load %arg7[%get3A_425, %get3A_426] {strides = array<i32>} : memref<400x64xf32, #tpu.memory_space<vmem>>, vector<1x16xf32>,
        %get3A_428 = vector.shape_cast %get3A_427 : vector<1x16xf32> to vector<16xf32>
        %add3A_429 = arith.addf %scan3A_370, %get3A_428 : vector<16xf32>
        scf.yield %add3A_380, %add3A_387, %add3A_394, %add3A_401, %add3A_408, %add3A_415, %add3A_422, %add3A_429 : vector<16xf32>, vector<16xf32>, vector<16xf32>, vector<16xf32>, vector<16xf32>, vector<16xf32>, vector<16xf32>, vector<16xf32>
      }
      %scan3A_206 = arith.constant 100 : i32
      %add3A_207 = arith.addf %scan3A_205#0, %scan3A_205#4 : vector<16xf32>
      %swap3A_208 = arith.index_cast %add3A_198 : i32 to index
      %swap3A_209 = arith.constant 0 : index
      %swap3A_210 = tpu.vector_load %arg9[%swap3A_208, %swap3A_209] {strides = array<i32>} : memref<128x64xf32, #tpu.memory_space<vmem>>, vector<1x16xf32>,
      %swap3A_211 = vector.shape_cast %swap3A_210 : vector<1x16xf32> to vector<16xf32>
      %swap3A_212 = vector.shape_cast %add3A_207 : vector<16xf32> to vector<1x16xf32>
      tpu.vector_store %arg9[%swap3A_208, %swap3A_209], %swap3A_212 {strides = array<i32>} : memref<128x64xf32, #tpu.memory_space<vmem>>, vector<1x16xf32>,
      %add3A_213 = arith.addf %scan3A_205#1, %scan3A_205#5 : vector<16xf32>
      %swap3A_214 = arith.index_cast %add3A_198 : i32 to index
      %swap3A_215 = arith.constant 16 : index
      %swap3A_216 = tpu.vector_load %arg9[%swap3A_214, %swap3A_215] {strides = array<i32>} : memref<128x64xf32, #tpu.memory_space<vmem>>, vector<1x16xf32>,
      %swap3A_217 = vector.shape_cast %swap3A_216 : vector<1x16xf32> to vector<16xf32>
      %swap3A_218 = vector.shape_cast %add3A_213 : vector<16xf32> to vector<1x16xf32>
      tpu.vector_store %arg9[%swap3A_214, %swap3A_215], %swap3A_218 {strides = array<i32>} : memref<128x64xf32, #tpu.memory_space<vmem>>, vector<1x16xf32>,
      %add3A_219 = arith.addf %scan3A_205#2, %scan3A_205#6 : vector<16xf32>
      %swap3A_220 = arith.index_cast %add3A_198 : i32 to index
      %swap3A_221 = arith.constant 32 : index
      %swap3A_222 = tpu.vector_load %arg9[%swap3A_220, %swap3A_221] {strides = array<i32>} : memref<128x64xf32, #tpu.memory_space<vmem>>, vector<1x16xf32>,
      %swap3A_223 = vector.shape_cast %swap3A_222 : vector<1x16xf32> to vector<16xf32>
      %swap3A_224 = vector.shape_cast %add3A_219 : vector<16xf32> to vector<1x16xf32>
      tpu.vector_store %arg9[%swap3A_220, %swap3A_221], %swap3A_224 {strides = array<i32>} : memref<128x64xf32, #tpu.memory_space<vmem>>, vector<1x16xf32>,
      %add3A_225 = arith.addf %scan3A_205#3, %scan3A_205#7 : vector<16xf32>
      %swap3A_226 = arith.index_cast %add3A_198 : i32 to index
      %swap3A_227 = arith.constant 48 : index
      %swap3A_228 = tpu.vector_load %arg9[%swap3A_226, %swap3A_227] {strides = array<i32>} : memref<128x64xf32, #tpu.memory_space<vmem>>, vector<1x16xf32>,
      %swap3A_229 = vector.shape_cast %swap3A_228 : vector<1x16xf32> to vector<16xf32>
      %swap3A_230 = vector.shape_cast %add3A_225 : vector<16xf32> to vector<1x16xf32>
      tpu.vector_store %arg9[%swap3A_226, %swap3A_227], %swap3A_230 {strides = array<i32>} : memref<128x64xf32, #tpu.memory_space<vmem>>, vector<1x16xf32>,
      %mul3A_231 = arith.constant 2 : i32
      %mul3A_232 = arith.muli %mul3A_231, %add3A_189 : i32
      %add3A_233 = arith.constant 1 : i32
      %add3A_234 = arith.addi %mul3A_232, %add3A_233 : i32
      %broadcast_in_dim3A_235 = arith.constant 0.000000e+00 : f32
      %broadcast_in_dim3A_236 = vector.broadcast %broadcast_in_dim3A_235 : f32 to vector<16xf32>
      %scan3A_237 = arith.constant 0 : i32
      %scan3A_238 = arith.constant 100 : i32
      %scan3A_239 = arith.addi %scan3A_237, %scan3A_238 : i32
      %scan3A_240 = arith.constant 1 : i32
      %scan3A_241:8 = scf.for %scan3A_362 = %scan3A_237 to %scan3A_239 step %scan3A_240 iter_args(%scan3A_363 = %broadcast_in_dim3A_236, %scan3A_364 = %broadcast_in_dim3A_236, %scan3A_365 = %broadcast_in_dim3A_236, %scan3A_366 = %broadcast_in_dim3A_236, %scan3A_367 = %broadcast_in_dim3A_236, %scan3A_368 = %broadcast_in_dim3A_236, %scan3A_369 = %broadcast_in_dim3A_236, %scan3A_370 = %broadcast_in_dim3A_236) -> (vector<16xf32>, vector<16xf32>, vector<16xf32>, vector<16xf32>, vector<16xf32>, vector<16xf32>, vector<16xf32>, vector<16xf32>)  : i32 {
        %mul3A_371 = arith.constant 2 : i32
        %mul3A_372 = arith.muli %mul3A_371, %scan3A_362 : i32
        %add3A_373 = arith.constant 200 : i32
        %add3A_374 = arith.addi %add3A_373, %mul3A_372 : i32
        %add3A_375 = arith.constant 0 : i32
        %add3A_376 = arith.addi %add3A_374, %add3A_375 : i32
        %get3A = arith.index_cast %add3A_376 : i32 to index
        %get3A_377 = arith.constant 0 : index
        %get3A_378 = tpu.vector_load %arg7[%get3A, %get3A_377] {strides = array<i32>} : memref<400x64xf32, #tpu.memory_space<vmem>>, vector<1x16xf32>,
        %get3A_379 = vector.shape_cast %get3A_378 : vector<1x16xf32> to vector<16xf32>
        %add3A_380 = arith.addf %scan3A_363, %get3A_379 : vector<16xf32>
        %add3A_381 = arith.constant 0 : i32
        %add3A_382 = arith.addi %add3A_374, %add3A_381 : i32
        %get3A_383 = arith.index_cast %add3A_382 : i32 to index
        %get3A_384 = arith.constant 16 : index
        %get3A_385 = tpu.vector_load %arg7[%get3A_383, %get3A_384] {strides = array<i32>} : memref<400x64xf32, #tpu.memory_space<vmem>>, vector<1x16xf32>,
        %get3A_386 = vector.shape_cast %get3A_385 : vector<1x16xf32> to vector<16xf32>
        %add3A_387 = arith.addf %scan3A_364, %get3A_386 : vector<16xf32>
        %add3A_388 = arith.constant 0 : i32
        %add3A_389 = arith.addi %add3A_374, %add3A_388 : i32
        %get3A_390 = arith.index_cast %add3A_389 : i32 to index
        %get3A_391 = arith.constant 32 : index
        %get3A_392 = tpu.vector_load %arg7[%get3A_390, %get3A_391] {strides = array<i32>} : memref<400x64xf32, #tpu.memory_space<vmem>>, vector<1x16xf32>,
        %get3A_393 = vector.shape_cast %get3A_392 : vector<1x16xf32> to vector<16xf32>
        %add3A_394 = arith.addf %scan3A_365, %get3A_393 : vector<16xf32>
        %add3A_395 = arith.constant 0 : i32
        %add3A_396 = arith.addi %add3A_374, %add3A_395 : i32
        %get3A_397 = arith.index_cast %add3A_396 : i32 to index
        %get3A_398 = arith.constant 48 : index
        %get3A_399 = tpu.vector_load %arg7[%get3A_397, %get3A_398] {strides = array<i32>} : memref<400x64xf32, #tpu.memory_space<vmem>>, vector<1x16xf32>,
        %get3A_400 = vector.shape_cast %get3A_399 : vector<1x16xf32> to vector<16xf32>
        %add3A_401 = arith.addf %scan3A_366, %get3A_400 : vector<16xf32>
        %add3A_402 = arith.constant 1 : i32
        %add3A_403 = arith.addi %add3A_374, %add3A_402 : i32
        %get3A_404 = arith.index_cast %add3A_403 : i32 to index
        %get3A_405 = arith.constant 0 : index
        %get3A_406 = tpu.vector_load %arg7[%get3A_404, %get3A_405] {strides = array<i32>} : memref<400x64xf32, #tpu.memory_space<vmem>>, vector<1x16xf32>,
        %get3A_407 = vector.shape_cast %get3A_406 : vector<1x16xf32> to vector<16xf32>
        %add3A_408 = arith.addf %scan3A_367, %get3A_407 : vector<16xf32>
        %add3A_409 = arith.constant 1 : i32
        %add3A_410 = arith.addi %add3A_374, %add3A_409 : i32
        %get3A_411 = arith.index_cast %add3A_410 : i32 to index
        %get3A_412 = arith.constant 16 : index
        %get3A_413 = tpu.vector_load %arg7[%get3A_411, %get3A_412] {strides = array<i32>} : memref<400x64xf32, #tpu.memory_space<vmem>>, vector<1x16xf32>,
        %get3A_414 = vector.shape_cast %get3A_413 : vector<1x16xf32> to vector<16xf32>
        %add3A_415 = arith.addf %scan3A_368, %get3A_414 : vector<16xf32>
        %add3A_416 = arith.constant 1 : i32
        %add3A_417 = arith.addi %add3A_374, %add3A_416 : i32
        %get3A_418 = arith.index_cast %add3A_417 : i32 to index
        %get3A_419 = arith.constant 32 : index
        %get3A_420 = tpu.vector_load %arg7[%get3A_418, %get3A_419] {strides = array<i32>} : memref<400x64xf32, #tpu.memory_space<vmem>>, vector<1x16xf32>,
        %get3A_421 = vector.shape_cast %get3A_420 : vector<1x16xf32> to vector<16xf32>
        %add3A_422 = arith.addf %scan3A_369, %get3A_421 : vector<16xf32>
        %add3A_423 = arith.constant 1 : i32
        %add3A_424 = arith.addi %add3A_374, %add3A_423 : i32
        %get3A_425 = arith.index_cast %add3A_424 : i32 to index
        %get3A_426 = arith.constant 48 : index
        %get3A_427 = tpu.vector_load %arg7[%get3A_425, %get3A_426] {strides = array<i32>} : memref<400x64xf32, #tpu.memory_space<vmem>>, vector<1x16xf32>,
        %get3A_428 = vector.shape_cast %get3A_427 : vector<1x16xf32> to vector<16xf32>
        %add3A_429 = arith.addf %scan3A_370, %get3A_428 : vector<16xf32>
        scf.yield %add3A_380, %add3A_387, %add3A_394, %add3A_401, %add3A_408, %add3A_415, %add3A_422, %add3A_429 : vector<16xf32>, vector<16xf32>, vector<16xf32>, vector<16xf32>, vector<16xf32>, vector<16xf32>, vector<16xf32>, vector<16xf32>
      }
      %scan3A_242 = arith.constant 100 : i32
      %add3A_243 = arith.addf %scan3A_241#0, %scan3A_241#4 : vector<16xf32>
      %swap3A_244 = arith.index_cast %add3A_234 : i32 to index
      %swap3A_245 = arith.constant 0 : index
      %swap3A_246 = tpu.vector_load %arg9[%swap3A_244, %swap3A_245] {strides = array<i32>} : memref<128x64xf32, #tpu.memory_space<vmem>>, vector<1x16xf32>,
      %swap3A_247 = vector.shape_cast %swap3A_246 : vector<1x16xf32> to vector<16xf32>
      %swap3A_248 = vector.shape_cast %add3A_243 : vector<16xf32> to vector<1x16xf32>
      tpu.vector_store %arg9[%swap3A_244, %swap3A_245], %swap3A_248 {strides = array<i32>} : memref<128x64xf32, #tpu.memory_space<vmem>>, vector<1x16xf32>,
      %add3A_249 = arith.addf %scan3A_241#1, %scan3A_241#5 : vector<16xf32>
      %swap3A_250 = arith.index_cast %add3A_234 : i32 to index
      %swap3A_251 = arith.constant 16 : index
      %swap3A_252 = tpu.vector_load %arg9[%swap3A_250, %swap3A_251] {strides = array<i32>} : memref<128x64xf32, #tpu.memory_space<vmem>>, vector<1x16xf32>,
      %swap3A_253 = vector.shape_cast %swap3A_252 : vector<1x16xf32> to vector<16xf32>
      %swap3A_254 = vector.shape_cast %add3A_249 : vector<16xf32> to vector<1x16xf32>
      tpu.vector_store %arg9[%swap3A_250, %swap3A_251], %swap3A_254 {strides = array<i32>} : memref<128x64xf32, #tpu.memory_space<vmem>>, vector<1x16xf32>,
      %add3A_255 = arith.addf %scan3A_241#2, %scan3A_241#6 : vector<16xf32>
      %swap3A_256 = arith.index_cast %add3A_234 : i32 to index
      %swap3A_257 = arith.constant 32 : index
      %swap3A_258 = tpu.vector_load %arg9[%swap3A_256, %swap3A_257] {strides = array<i32>} : memref<128x64xf32, #tpu.memory_space<vmem>>, vector<1x16xf32>,
      %swap3A_259 = vector.shape_cast %swap3A_258 : vector<1x16xf32> to vector<16xf32>
      %swap3A_260 = vector.shape_cast %add3A_255 : vector<16xf32> to vector<1x16xf32>
      tpu.vector_store %arg9[%swap3A_256, %swap3A_257], %swap3A_260 {strides = array<i32>} : memref<128x64xf32, #tpu.memory_space<vmem>>, vector<1x16xf32>,
      %add3A_261 = arith.addf %scan3A_241#3, %scan3A_241#7 : vector<16xf32>
      %swap3A_262 = arith.index_cast %add3A_234 : i32 to index
      %swap3A_263 = arith.constant 48 : index
      %swap3A_264 = tpu.vector_load %arg9[%swap3A_262, %swap3A_263] {strides = array<i32>} : memref<128x64xf32, #tpu.memory_space<vmem>>, vector<1x16xf32>,
      %swap3A_265 = vector.shape_cast %swap3A_264 : vector<1x16xf32> to vector<16xf32>
      %swap3A_266 = vector.shape_cast %add3A_261 : vector<16xf32> to vector<1x16xf32>
      tpu.vector_store %arg9[%swap3A_262, %swap3A_263], %swap3A_266 {strides = array<i32>} : memref<128x64xf32, #tpu.memory_space<vmem>>, vector<1x16xf32>,
      %add3A_267 = arith.constant 3 : i32
      %add3A_268 = arith.addi %add3A_189, %add3A_267 : i32
      %lt3A_269 = arith.constant 64 : i32
      %lt3A_270 = arith.cmpi slt, %add3A_268, %lt3A_269 : i32
      %convert_element_type3A_271 = arith.extui %lt3A_270 : i1 to i32
      %cond3A_272 = arith.constant 0 : i32
      %cond3A_273 = arith.cmpi ne, %convert_element_type3A_271, %cond3A_272 : i32
      scf.if %cond3A_273 {
        %add3A_362 = arith.constant 3 : i32
        %add3A_363 = arith.addi %add3A_189, %add3A_362 : i32
        %mul3A_364 = arith.constant 400 : i32
        %mul3A_365 = arith.muli %add3A_363, %mul3A_364 : i32
        %dma_start3A_366 = tpu.memref_slice %arg5[%mul3A_365] : memref<25600xi32, #tpu.memory_space<vmem>> -> memref<400xi32, #tpu.memory_space<vmem>>
        %dma_start3A_367 = arith.constant 0 : i32
        %dma_start3A_368 = arith.constant 0 : i32
        %dma_start3A_369 = tpu.memref_slice %arg3[%dma_start3A_367, %dma_start3A_368] : memref<1000000x64xf32, #tpu.memory_space<hbm>> -> memref<1000000x64xf32, #tpu.memory_space<hbm>>
        tpu.enqueue_indirect_dma source(%dma_start3A_369 : memref<1000000x64xf32, #tpu.memory_space<hbm>>) target(%arg7 : memref<400x64xf32, #tpu.memory_space<vmem>>) offsets(%dma_start3A_366 : memref<400xi32, #tpu.memory_space<vmem>>) semaphore(%arg11 : memref<!tpu.dma_semaphore, #tpu.memory_space<semaphore_mem>>)
      } else {
      }
      %mul3A_274 = arith.constant 3 : i32
      %mul3A_275 = arith.muli %mul3A_274, %scan3A_100 : i32
      %add3A_276 = arith.constant 2 : i32
      %add3A_277 = arith.addi %mul3A_275, %add3A_276 : i32
      %dma_wait3A_278 = arith.constant 0 : i32
      %dma_wait3A_279 = tpu.memref_slice %arg5[%dma_wait3A_278] : memref<25600xi32, #tpu.memory_space<vmem>> -> memref<400xi32, #tpu.memory_space<vmem>>
      %dma_wait3A_280 = arith.constant 0 : i32
      %dma_wait3A_281 = arith.constant 0 : i32
      %dma_wait3A_282 = tpu.memref_slice %arg3[%dma_wait3A_280, %dma_wait3A_281] : memref<1000000x64xf32, #tpu.memory_space<hbm>> -> memref<1000000x64xf32, #tpu.memory_space<hbm>>
      tpu.wait_indirect_dma semaphore(%arg12 : memref<!tpu.dma_semaphore, #tpu.memory_space<semaphore_mem>>) src(%dma_wait3A_282 : memref<1000000x64xf32, #tpu.memory_space<hbm>>) dst(%arg8 : memref<400x64xf32, #tpu.memory_space<vmem>>)
      %mul3A_283 = arith.constant 2 : i32
      %mul3A_284 = arith.muli %mul3A_283, %add3A_277 : i32
      %add3A_285 = arith.constant 0 : i32
      %add3A_286 = arith.addi %mul3A_284, %add3A_285 : i32
      %broadcast_in_dim3A_287 = arith.constant 0.000000e+00 : f32
      %broadcast_in_dim3A_288 = vector.broadcast %broadcast_in_dim3A_287 : f32 to vector<16xf32>
      %scan3A_289 = arith.constant 0 : i32
      %scan3A_290 = arith.constant 100 : i32
      %scan3A_291 = arith.addi %scan3A_289, %scan3A_290 : i32
      %scan3A_292 = arith.constant 1 : i32
      %scan3A_293:8 = scf.for %scan3A_362 = %scan3A_289 to %scan3A_291 step %scan3A_292 iter_args(%scan3A_363 = %broadcast_in_dim3A_288, %scan3A_364 = %broadcast_in_dim3A_288, %scan3A_365 = %broadcast_in_dim3A_288, %scan3A_366 = %broadcast_in_dim3A_288, %scan3A_367 = %broadcast_in_dim3A_288, %scan3A_368 = %broadcast_in_dim3A_288, %scan3A_369 = %broadcast_in_dim3A_288, %scan3A_370 = %broadcast_in_dim3A_288) -> (vector<16xf32>, vector<16xf32>, vector<16xf32>, vector<16xf32>, vector<16xf32>, vector<16xf32>, vector<16xf32>, vector<16xf32>)  : i32 {
        %mul3A_371 = arith.constant 2 : i32
        %mul3A_372 = arith.muli %mul3A_371, %scan3A_362 : i32
        %add3A_373 = arith.constant 0 : i32
        %add3A_374 = arith.addi %add3A_373, %mul3A_372 : i32
        %add3A_375 = arith.constant 0 : i32
        %add3A_376 = arith.addi %add3A_374, %add3A_375 : i32
        %get3A = arith.index_cast %add3A_376 : i32 to index
        %get3A_377 = arith.constant 0 : index
        %get3A_378 = tpu.vector_load %arg8[%get3A, %get3A_377] {strides = array<i32>} : memref<400x64xf32, #tpu.memory_space<vmem>>, vector<1x16xf32>,
        %get3A_379 = vector.shape_cast %get3A_378 : vector<1x16xf32> to vector<16xf32>
        %add3A_380 = arith.addf %scan3A_363, %get3A_379 : vector<16xf32>
        %add3A_381 = arith.constant 0 : i32
        %add3A_382 = arith.addi %add3A_374, %add3A_381 : i32
        %get3A_383 = arith.index_cast %add3A_382 : i32 to index
        %get3A_384 = arith.constant 16 : index
        %get3A_385 = tpu.vector_load %arg8[%get3A_383, %get3A_384] {strides = array<i32>} : memref<400x64xf32, #tpu.memory_space<vmem>>, vector<1x16xf32>,
        %get3A_386 = vector.shape_cast %get3A_385 : vector<1x16xf32> to vector<16xf32>
        %add3A_387 = arith.addf %scan3A_364, %get3A_386 : vector<16xf32>
        %add3A_388 = arith.constant 0 : i32
        %add3A_389 = arith.addi %add3A_374, %add3A_388 : i32
        %get3A_390 = arith.index_cast %add3A_389 : i32 to index
        %get3A_391 = arith.constant 32 : index
        %get3A_392 = tpu.vector_load %arg8[%get3A_390, %get3A_391] {strides = array<i32>} : memref<400x64xf32, #tpu.memory_space<vmem>>, vector<1x16xf32>,
        %get3A_393 = vector.shape_cast %get3A_392 : vector<1x16xf32> to vector<16xf32>
        %add3A_394 = arith.addf %scan3A_365, %get3A_393 : vector<16xf32>
        %add3A_395 = arith.constant 0 : i32
        %add3A_396 = arith.addi %add3A_374, %add3A_395 : i32
        %get3A_397 = arith.index_cast %add3A_396 : i32 to index
        %get3A_398 = arith.constant 48 : index
        %get3A_399 = tpu.vector_load %arg8[%get3A_397, %get3A_398] {strides = array<i32>} : memref<400x64xf32, #tpu.memory_space<vmem>>, vector<1x16xf32>,
        %get3A_400 = vector.shape_cast %get3A_399 : vector<1x16xf32> to vector<16xf32>
        %add3A_401 = arith.addf %scan3A_366, %get3A_400 : vector<16xf32>
        %add3A_402 = arith.constant 1 : i32
        %add3A_403 = arith.addi %add3A_374, %add3A_402 : i32
        %get3A_404 = arith.index_cast %add3A_403 : i32 to index
        %get3A_405 = arith.constant 0 : index
        %get3A_406 = tpu.vector_load %arg8[%get3A_404, %get3A_405] {strides = array<i32>} : memref<400x64xf32, #tpu.memory_space<vmem>>, vector<1x16xf32>,
        %get3A_407 = vector.shape_cast %get3A_406 : vector<1x16xf32> to vector<16xf32>
        %add3A_408 = arith.addf %scan3A_367, %get3A_407 : vector<16xf32>
        %add3A_409 = arith.constant 1 : i32
        %add3A_410 = arith.addi %add3A_374, %add3A_409 : i32
        %get3A_411 = arith.index_cast %add3A_410 : i32 to index
        %get3A_412 = arith.constant 16 : index
        %get3A_413 = tpu.vector_load %arg8[%get3A_411, %get3A_412] {strides = array<i32>} : memref<400x64xf32, #tpu.memory_space<vmem>>, vector<1x16xf32>,
        %get3A_414 = vector.shape_cast %get3A_413 : vector<1x16xf32> to vector<16xf32>
        %add3A_415 = arith.addf %scan3A_368, %get3A_414 : vector<16xf32>
        %add3A_416 = arith.constant 1 : i32
        %add3A_417 = arith.addi %add3A_374, %add3A_416 : i32
        %get3A_418 = arith.index_cast %add3A_417 : i32 to index
        %get3A_419 = arith.constant 32 : index
        %get3A_420 = tpu.vector_load %arg8[%get3A_418, %get3A_419] {strides = array<i32>} : memref<400x64xf32, #tpu.memory_space<vmem>>, vector<1x16xf32>,
        %get3A_421 = vector.shape_cast %get3A_420 : vector<1x16xf32> to vector<16xf32>
        %add3A_422 = arith.addf %scan3A_369, %get3A_421 : vector<16xf32>
        %add3A_423 = arith.constant 1 : i32
        %add3A_424 = arith.addi %add3A_374, %add3A_423 : i32
        %get3A_425 = arith.index_cast %add3A_424 : i32 to index
        %get3A_426 = arith.constant 48 : index
        %get3A_427 = tpu.vector_load %arg8[%get3A_425, %get3A_426] {strides = array<i32>} : memref<400x64xf32, #tpu.memory_space<vmem>>, vector<1x16xf32>,
        %get3A_428 = vector.shape_cast %get3A_427 : vector<1x16xf32> to vector<16xf32>
        %add3A_429 = arith.addf %scan3A_370, %get3A_428 : vector<16xf32>
        scf.yield %add3A_380, %add3A_387, %add3A_394, %add3A_401, %add3A_408, %add3A_415, %add3A_422, %add3A_429 : vector<16xf32>, vector<16xf32>, vector<16xf32>, vector<16xf32>, vector<16xf32>, vector<16xf32>, vector<16xf32>, vector<16xf32>
      }
      %scan3A_294 = arith.constant 100 : i32
      %add3A_295 = arith.addf %scan3A_293#0, %scan3A_293#4 : vector<16xf32>
      %swap3A_296 = arith.index_cast %add3A_286 : i32 to index
      %swap3A_297 = arith.constant 0 : index
      %swap3A_298 = tpu.vector_load %arg9[%swap3A_296, %swap3A_297] {strides = array<i32>} : memref<128x64xf32, #tpu.memory_space<vmem>>, vector<1x16xf32>,
      %swap3A_299 = vector.shape_cast %swap3A_298 : vector<1x16xf32> to vector<16xf32>
      %swap3A_300 = vector.shape_cast %add3A_295 : vector<16xf32> to vector<1x16xf32>
      tpu.vector_store %arg9[%swap3A_296, %swap3A_297], %swap3A_300 {strides = array<i32>} : memref<128x64xf32, #tpu.memory_space<vmem>>, vector<1x16xf32>,
      %add3A_301 = arith.addf %scan3A_293#1, %scan3A_293#5 : vector<16xf32>
      %swap3A_302 = arith.index_cast %add3A_286 : i32 to index
      %swap3A_303 = arith.constant 16 : index
      %swap3A_304 = tpu.vector_load %arg9[%swap3A_302, %swap3A_303] {strides = array<i32>} : memref<128x64xf32, #tpu.memory_space<vmem>>, vector<1x16xf32>,
      %swap3A_305 = vector.shape_cast %swap3A_304 : vector<1x16xf32> to vector<16xf32>
      %swap3A_306 = vector.shape_cast %add3A_301 : vector<16xf32> to vector<1x16xf32>
      tpu.vector_store %arg9[%swap3A_302, %swap3A_303], %swap3A_306 {strides = array<i32>} : memref<128x64xf32, #tpu.memory_space<vmem>>, vector<1x16xf32>,
      %add3A_307 = arith.addf %scan3A_293#2, %scan3A_293#6 : vector<16xf32>
      %swap3A_308 = arith.index_cast %add3A_286 : i32 to index
      %swap3A_309 = arith.constant 32 : index
      %swap3A_310 = tpu.vector_load %arg9[%swap3A_308, %swap3A_309] {strides = array<i32>} : memref<128x64xf32, #tpu.memory_space<vmem>>, vector<1x16xf32>,
      %swap3A_311 = vector.shape_cast %swap3A_310 : vector<1x16xf32> to vector<16xf32>
      %swap3A_312 = vector.shape_cast %add3A_307 : vector<16xf32> to vector<1x16xf32>
      tpu.vector_store %arg9[%swap3A_308, %swap3A_309], %swap3A_312 {strides = array<i32>} : memref<128x64xf32, #tpu.memory_space<vmem>>, vector<1x16xf32>,
      %add3A_313 = arith.addf %scan3A_293#3, %scan3A_293#7 : vector<16xf32>
      %swap3A_314 = arith.index_cast %add3A_286 : i32 to index
      %swap3A_315 = arith.constant 48 : index
      %swap3A_316 = tpu.vector_load %arg9[%swap3A_314, %swap3A_315] {strides = array<i32>} : memref<128x64xf32, #tpu.memory_space<vmem>>, vector<1x16xf32>,
      %swap3A_317 = vector.shape_cast %swap3A_316 : vector<1x16xf32> to vector<16xf32>
      %swap3A_318 = vector.shape_cast %add3A_313 : vector<16xf32> to vector<1x16xf32>
      tpu.vector_store %arg9[%swap3A_314, %swap3A_315], %swap3A_318 {strides = array<i32>} : memref<128x64xf32, #tpu.memory_space<vmem>>, vector<1x16xf32>,
      %mul3A_319 = arith.constant 2 : i32
      %mul3A_320 = arith.muli %mul3A_319, %add3A_277 : i32
      %add3A_321 = arith.constant 1 : i32
      %add3A_322 = arith.addi %mul3A_320, %add3A_321 : i32
      %broadcast_in_dim3A_323 = arith.constant 0.000000e+00 : f32
      %broadcast_in_dim3A_324 = vector.broadcast %broadcast_in_dim3A_323 : f32 to vector<16xf32>
      %scan3A_325 = arith.constant 0 : i32
      %scan3A_326 = arith.constant 100 : i32
      %scan3A_327 = arith.addi %scan3A_325, %scan3A_326 : i32
      %scan3A_328 = arith.constant 1 : i32
      %scan3A_329:8 = scf.for %scan3A_362 = %scan3A_325 to %scan3A_327 step %scan3A_328 iter_args(%scan3A_363 = %broadcast_in_dim3A_324, %scan3A_364 = %broadcast_in_dim3A_324, %scan3A_365 = %broadcast_in_dim3A_324, %scan3A_366 = %broadcast_in_dim3A_324, %scan3A_367 = %broadcast_in_dim3A_324, %scan3A_368 = %broadcast_in_dim3A_324, %scan3A_369 = %broadcast_in_dim3A_324, %scan3A_370 = %broadcast_in_dim3A_324) -> (vector<16xf32>, vector<16xf32>, vector<16xf32>, vector<16xf32>, vector<16xf32>, vector<16xf32>, vector<16xf32>, vector<16xf32>)  : i32 {
        %mul3A_371 = arith.constant 2 : i32
        %mul3A_372 = arith.muli %mul3A_371, %scan3A_362 : i32
        %add3A_373 = arith.constant 200 : i32
        %add3A_374 = arith.addi %add3A_373, %mul3A_372 : i32
        %add3A_375 = arith.constant 0 : i32
        %add3A_376 = arith.addi %add3A_374, %add3A_375 : i32
        %get3A = arith.index_cast %add3A_376 : i32 to index
        %get3A_377 = arith.constant 0 : index
        %get3A_378 = tpu.vector_load %arg8[%get3A, %get3A_377] {strides = array<i32>} : memref<400x64xf32, #tpu.memory_space<vmem>>, vector<1x16xf32>,
        %get3A_379 = vector.shape_cast %get3A_378 : vector<1x16xf32> to vector<16xf32>
        %add3A_380 = arith.addf %scan3A_363, %get3A_379 : vector<16xf32>
        %add3A_381 = arith.constant 0 : i32
        %add3A_382 = arith.addi %add3A_374, %add3A_381 : i32
        %get3A_383 = arith.index_cast %add3A_382 : i32 to index
        %get3A_384 = arith.constant 16 : index
        %get3A_385 = tpu.vector_load %arg8[%get3A_383, %get3A_384] {strides = array<i32>} : memref<400x64xf32, #tpu.memory_space<vmem>>, vector<1x16xf32>,
        %get3A_386 = vector.shape_cast %get3A_385 : vector<1x16xf32> to vector<16xf32>
        %add3A_387 = arith.addf %scan3A_364, %get3A_386 : vector<16xf32>
        %add3A_388 = arith.constant 0 : i32
        %add3A_389 = arith.addi %add3A_374, %add3A_388 : i32
        %get3A_390 = arith.index_cast %add3A_389 : i32 to index
        %get3A_391 = arith.constant 32 : index
        %get3A_392 = tpu.vector_load %arg8[%get3A_390, %get3A_391] {strides = array<i32>} : memref<400x64xf32, #tpu.memory_space<vmem>>, vector<1x16xf32>,
        %get3A_393 = vector.shape_cast %get3A_392 : vector<1x16xf32> to vector<16xf32>
        %add3A_394 = arith.addf %scan3A_365, %get3A_393 : vector<16xf32>
        %add3A_395 = arith.constant 0 : i32
        %add3A_396 = arith.addi %add3A_374, %add3A_395 : i32
        %get3A_397 = arith.index_cast %add3A_396 : i32 to index
        %get3A_398 = arith.constant 48 : index
        %get3A_399 = tpu.vector_load %arg8[%get3A_397, %get3A_398] {strides = array<i32>} : memref<400x64xf32, #tpu.memory_space<vmem>>, vector<1x16xf32>,
        %get3A_400 = vector.shape_cast %get3A_399 : vector<1x16xf32> to vector<16xf32>
        %add3A_401 = arith.addf %scan3A_366, %get3A_400 : vector<16xf32>
        %add3A_402 = arith.constant 1 : i32
        %add3A_403 = arith.addi %add3A_374, %add3A_402 : i32
        %get3A_404 = arith.index_cast %add3A_403 : i32 to index
        %get3A_405 = arith.constant 0 : index
        %get3A_406 = tpu.vector_load %arg8[%get3A_404, %get3A_405] {strides = array<i32>} : memref<400x64xf32, #tpu.memory_space<vmem>>, vector<1x16xf32>,
        %get3A_407 = vector.shape_cast %get3A_406 : vector<1x16xf32> to vector<16xf32>
        %add3A_408 = arith.addf %scan3A_367, %get3A_407 : vector<16xf32>
        %add3A_409 = arith.constant 1 : i32
        %add3A_410 = arith.addi %add3A_374, %add3A_409 : i32
        %get3A_411 = arith.index_cast %add3A_410 : i32 to index
        %get3A_412 = arith.constant 16 : index
        %get3A_413 = tpu.vector_load %arg8[%get3A_411, %get3A_412] {strides = array<i32>} : memref<400x64xf32, #tpu.memory_space<vmem>>, vector<1x16xf32>,
        %get3A_414 = vector.shape_cast %get3A_413 : vector<1x16xf32> to vector<16xf32>
        %add3A_415 = arith.addf %scan3A_368, %get3A_414 : vector<16xf32>
        %add3A_416 = arith.constant 1 : i32
        %add3A_417 = arith.addi %add3A_374, %add3A_416 : i32
        %get3A_418 = arith.index_cast %add3A_417 : i32 to index
        %get3A_419 = arith.constant 32 : index
        %get3A_420 = tpu.vector_load %arg8[%get3A_418, %get3A_419] {strides = array<i32>} : memref<400x64xf32, #tpu.memory_space<vmem>>, vector<1x16xf32>,
        %get3A_421 = vector.shape_cast %get3A_420 : vector<1x16xf32> to vector<16xf32>
        %add3A_422 = arith.addf %scan3A_369, %get3A_421 : vector<16xf32>
        %add3A_423 = arith.constant 1 : i32
        %add3A_424 = arith.addi %add3A_374, %add3A_423 : i32
        %get3A_425 = arith.index_cast %add3A_424 : i32 to index
        %get3A_426 = arith.constant 48 : index
        %get3A_427 = tpu.vector_load %arg8[%get3A_425, %get3A_426] {strides = array<i32>} : memref<400x64xf32, #tpu.memory_space<vmem>>, vector<1x16xf32>,
        %get3A_428 = vector.shape_cast %get3A_427 : vector<1x16xf32> to vector<16xf32>
        %add3A_429 = arith.addf %scan3A_370, %get3A_428 : vector<16xf32>
        scf.yield %add3A_380, %add3A_387, %add3A_394, %add3A_401, %add3A_408, %add3A_415, %add3A_422, %add3A_429 : vector<16xf32>, vector<16xf32>, vector<16xf32>, vector<16xf32>, vector<16xf32>, vector<16xf32>, vector<16xf32>, vector<16xf32>
      }
      %scan3A_330 = arith.constant 100 : i32
      %add3A_331 = arith.addf %scan3A_329#0, %scan3A_329#4 : vector<16xf32>
      %swap3A_332 = arith.index_cast %add3A_322 : i32 to index
      %swap3A_333 = arith.constant 0 : index
      %swap3A_334 = tpu.vector_load %arg9[%swap3A_332, %swap3A_333] {strides = array<i32>} : memref<128x64xf32, #tpu.memory_space<vmem>>, vector<1x16xf32>,
      %swap3A_335 = vector.shape_cast %swap3A_334 : vector<1x16xf32> to vector<16xf32>
      %swap3A_336 = vector.shape_cast %add3A_331 : vector<16xf32> to vector<1x16xf32>
      tpu.vector_store %arg9[%swap3A_332, %swap3A_333], %swap3A_336 {strides = array<i32>} : memref<128x64xf32, #tpu.memory_space<vmem>>, vector<1x16xf32>,
      %add3A_337 = arith.addf %scan3A_329#1, %scan3A_329#5 : vector<16xf32>
      %swap3A_338 = arith.index_cast %add3A_322 : i32 to index
      %swap3A_339 = arith.constant 16 : index
      %swap3A_340 = tpu.vector_load %arg9[%swap3A_338, %swap3A_339] {strides = array<i32>} : memref<128x64xf32, #tpu.memory_space<vmem>>, vector<1x16xf32>,
      %swap3A_341 = vector.shape_cast %swap3A_340 : vector<1x16xf32> to vector<16xf32>
      %swap3A_342 = vector.shape_cast %add3A_337 : vector<16xf32> to vector<1x16xf32>
      tpu.vector_store %arg9[%swap3A_338, %swap3A_339], %swap3A_342 {strides = array<i32>} : memref<128x64xf32, #tpu.memory_space<vmem>>, vector<1x16xf32>,
      %add3A_343 = arith.addf %scan3A_329#2, %scan3A_329#6 : vector<16xf32>
      %swap3A_344 = arith.index_cast %add3A_322 : i32 to index
      %swap3A_345 = arith.constant 32 : index
      %swap3A_346 = tpu.vector_load %arg9[%swap3A_344, %swap3A_345] {strides = array<i32>} : memref<128x64xf32, #tpu.memory_space<vmem>>, vector<1x16xf32>,
      %swap3A_347 = vector.shape_cast %swap3A_346 : vector<1x16xf32> to vector<16xf32>
      %swap3A_348 = vector.shape_cast %add3A_343 : vector<16xf32> to vector<1x16xf32>
      tpu.vector_store %arg9[%swap3A_344, %swap3A_345], %swap3A_348 {strides = array<i32>} : memref<128x64xf32, #tpu.memory_space<vmem>>, vector<1x16xf32>,
      %add3A_349 = arith.addf %scan3A_329#3, %scan3A_329#7 : vector<16xf32>
      %swap3A_350 = arith.index_cast %add3A_322 : i32 to index
      %swap3A_351 = arith.constant 48 : index
      %swap3A_352 = tpu.vector_load %arg9[%swap3A_350, %swap3A_351] {strides = array<i32>} : memref<128x64xf32, #tpu.memory_space<vmem>>, vector<1x16xf32>,
      %swap3A_353 = vector.shape_cast %swap3A_352 : vector<1x16xf32> to vector<16xf32>
      %swap3A_354 = vector.shape_cast %add3A_349 : vector<16xf32> to vector<1x16xf32>
      tpu.vector_store %arg9[%swap3A_350, %swap3A_351], %swap3A_354 {strides = array<i32>} : memref<128x64xf32, #tpu.memory_space<vmem>>, vector<1x16xf32>,
      %add3A_355 = arith.constant 3 : i32
      %add3A_356 = arith.addi %add3A_277, %add3A_355 : i32
      %lt3A_357 = arith.constant 64 : i32
      %lt3A_358 = arith.cmpi slt, %add3A_356, %lt3A_357 : i32
      %convert_element_type3A_359 = arith.extui %lt3A_358 : i1 to i32
      %cond3A_360 = arith.constant 0 : i32
      %cond3A_361 = arith.cmpi ne, %convert_element_type3A_359, %cond3A_360 : i32
      scf.if %cond3A_361 {
        %add3A_362 = arith.constant 3 : i32
        %add3A_363 = arith.addi %add3A_277, %add3A_362 : i32
        %mul3A_364 = arith.constant 400 : i32
        %mul3A_365 = arith.muli %add3A_363, %mul3A_364 : i32
        %dma_start3A_366 = tpu.memref_slice %arg5[%mul3A_365] : memref<25600xi32, #tpu.memory_space<vmem>> -> memref<400xi32, #tpu.memory_space<vmem>>
        %dma_start3A_367 = arith.constant 0 : i32
        %dma_start3A_368 = arith.constant 0 : i32
        %dma_start3A_369 = tpu.memref_slice %arg3[%dma_start3A_367, %dma_start3A_368] : memref<1000000x64xf32, #tpu.memory_space<hbm>> -> memref<1000000x64xf32, #tpu.memory_space<hbm>>
        tpu.enqueue_indirect_dma source(%dma_start3A_369 : memref<1000000x64xf32, #tpu.memory_space<hbm>>) target(%arg8 : memref<400x64xf32, #tpu.memory_space<vmem>>) offsets(%dma_start3A_366 : memref<400xi32, #tpu.memory_space<vmem>>) semaphore(%arg12 : memref<!tpu.dma_semaphore, #tpu.memory_space<semaphore_mem>>)
      } else {
      }
    }
    %scan3A_23 = arith.constant 21 : i32
    %dma_wait3A = arith.constant 0 : i32
    %dma_wait3A_24 = tpu.memref_slice %arg5[%dma_wait3A] : memref<25600xi32, #tpu.memory_space<vmem>> -> memref<400xi32, #tpu.memory_space<vmem>>
    %dma_wait3A_25 = arith.constant 0 : i32
    %dma_wait3A_26 = arith.constant 0 : i32
    %dma_wait3A_27 = tpu.memref_slice %arg3[%dma_wait3A_25, %dma_wait3A_26] : memref<1000000x64xf32, #tpu.memory_space<hbm>> -> memref<1000000x64xf32, #tpu.memory_space<hbm>>
    tpu.wait_indirect_dma semaphore(%arg10 : memref<!tpu.dma_semaphore, #tpu.memory_space<semaphore_mem>>) src(%dma_wait3A_27 : memref<1000000x64xf32, #tpu.memory_space<hbm>>) dst(%arg6 : memref<400x64xf32, #tpu.memory_space<vmem>>)
    %broadcast_in_dim3A = arith.constant 0.000000e+00 : f32
    %broadcast_in_dim3A_28 = vector.broadcast %broadcast_in_dim3A : f32 to vector<16xf32>
    %scan3A_29 = arith.constant 0 : i32
    %scan3A_30 = arith.constant 100 : i32
    %scan3A_31 = arith.addi %scan3A_29, %scan3A_30 : i32
    %scan3A_32 = arith.constant 1 : i32
    %scan3A_33:8 = scf.for %scan3A_100 = %scan3A_29 to %scan3A_31 step %scan3A_32 iter_args(%scan3A_101 = %broadcast_in_dim3A_28, %scan3A_102 = %broadcast_in_dim3A_28, %scan3A_103 = %broadcast_in_dim3A_28, %scan3A_104 = %broadcast_in_dim3A_28, %scan3A_105 = %broadcast_in_dim3A_28, %scan3A_106 = %broadcast_in_dim3A_28, %scan3A_107 = %broadcast_in_dim3A_28, %scan3A_108 = %broadcast_in_dim3A_28) -> (vector<16xf32>, vector<16xf32>, vector<16xf32>, vector<16xf32>, vector<16xf32>, vector<16xf32>, vector<16xf32>, vector<16xf32>)  : i32 {
      %mul3A_109 = arith.constant 2 : i32
      %mul3A_110 = arith.muli %mul3A_109, %scan3A_100 : i32
      %add3A_111 = arith.constant 0 : i32
      %add3A_112 = arith.addi %add3A_111, %mul3A_110 : i32
      %add3A_113 = arith.constant 0 : i32
      %add3A_114 = arith.addi %add3A_112, %add3A_113 : i32
      %get3A = arith.index_cast %add3A_114 : i32 to index
      %get3A_115 = arith.constant 0 : index
      %get3A_116 = tpu.vector_load %arg6[%get3A, %get3A_115] {strides = array<i32>} : memref<400x64xf32, #tpu.memory_space<vmem>>, vector<1x16xf32>,
      %get3A_117 = vector.shape_cast %get3A_116 : vector<1x16xf32> to vector<16xf32>
      %add3A_118 = arith.addf %scan3A_101, %get3A_117 : vector<16xf32>
      %add3A_119 = arith.constant 0 : i32
      %add3A_120 = arith.addi %add3A_112, %add3A_119 : i32
      %get3A_121 = arith.index_cast %add3A_120 : i32 to index
      %get3A_122 = arith.constant 16 : index
      %get3A_123 = tpu.vector_load %arg6[%get3A_121, %get3A_122] {strides = array<i32>} : memref<400x64xf32, #tpu.memory_space<vmem>>, vector<1x16xf32>,
      %get3A_124 = vector.shape_cast %get3A_123 : vector<1x16xf32> to vector<16xf32>
      %add3A_125 = arith.addf %scan3A_102, %get3A_124 : vector<16xf32>
      %add3A_126 = arith.constant 0 : i32
      %add3A_127 = arith.addi %add3A_112, %add3A_126 : i32
      %get3A_128 = arith.index_cast %add3A_127 : i32 to index
      %get3A_129 = arith.constant 32 : index
      %get3A_130 = tpu.vector_load %arg6[%get3A_128, %get3A_129] {strides = array<i32>} : memref<400x64xf32, #tpu.memory_space<vmem>>, vector<1x16xf32>,
      %get3A_131 = vector.shape_cast %get3A_130 : vector<1x16xf32> to vector<16xf32>
      %add3A_132 = arith.addf %scan3A_103, %get3A_131 : vector<16xf32>
      %add3A_133 = arith.constant 0 : i32
      %add3A_134 = arith.addi %add3A_112, %add3A_133 : i32
      %get3A_135 = arith.index_cast %add3A_134 : i32 to index
      %get3A_136 = arith.constant 48 : index
      %get3A_137 = tpu.vector_load %arg6[%get3A_135, %get3A_136] {strides = array<i32>} : memref<400x64xf32, #tpu.memory_space<vmem>>, vector<1x16xf32>,
      %get3A_138 = vector.shape_cast %get3A_137 : vector<1x16xf32> to vector<16xf32>
      %add3A_139 = arith.addf %scan3A_104, %get3A_138 : vector<16xf32>
      %add3A_140 = arith.constant 1 : i32
      %add3A_141 = arith.addi %add3A_112, %add3A_140 : i32
      %get3A_142 = arith.index_cast %add3A_141 : i32 to index
      %get3A_143 = arith.constant 0 : index
      %get3A_144 = tpu.vector_load %arg6[%get3A_142, %get3A_143] {strides = array<i32>} : memref<400x64xf32, #tpu.memory_space<vmem>>, vector<1x16xf32>,
      %get3A_145 = vector.shape_cast %get3A_144 : vector<1x16xf32> to vector<16xf32>
      %add3A_146 = arith.addf %scan3A_105, %get3A_145 : vector<16xf32>
      %add3A_147 = arith.constant 1 : i32
      %add3A_148 = arith.addi %add3A_112, %add3A_147 : i32
      %get3A_149 = arith.index_cast %add3A_148 : i32 to index
      %get3A_150 = arith.constant 16 : index
      %get3A_151 = tpu.vector_load %arg6[%get3A_149, %get3A_150] {strides = array<i32>} : memref<400x64xf32, #tpu.memory_space<vmem>>, vector<1x16xf32>,
      %get3A_152 = vector.shape_cast %get3A_151 : vector<1x16xf32> to vector<16xf32>
      %add3A_153 = arith.addf %scan3A_106, %get3A_152 : vector<16xf32>
      %add3A_154 = arith.constant 1 : i32
      %add3A_155 = arith.addi %add3A_112, %add3A_154 : i32
      %get3A_156 = arith.index_cast %add3A_155 : i32 to index
      %get3A_157 = arith.constant 32 : index
      %get3A_158 = tpu.vector_load %arg6[%get3A_156, %get3A_157] {strides = array<i32>} : memref<400x64xf32, #tpu.memory_space<vmem>>, vector<1x16xf32>,
      %get3A_159 = vector.shape_cast %get3A_158 : vector<1x16xf32> to vector<16xf32>
      %add3A_160 = arith.addf %scan3A_107, %get3A_159 : vector<16xf32>
      %add3A_161 = arith.constant 1 : i32
      %add3A_162 = arith.addi %add3A_112, %add3A_161 : i32
      %get3A_163 = arith.index_cast %add3A_162 : i32 to index
      %get3A_164 = arith.constant 48 : index
      %get3A_165 = tpu.vector_load %arg6[%get3A_163, %get3A_164] {strides = array<i32>} : memref<400x64xf32, #tpu.memory_space<vmem>>, vector<1x16xf32>,
      %get3A_166 = vector.shape_cast %get3A_165 : vector<1x16xf32> to vector<16xf32>
      %add3A_167 = arith.addf %scan3A_108, %get3A_166 : vector<16xf32>
      scf.yield %add3A_118, %add3A_125, %add3A_132, %add3A_139, %add3A_146, %add3A_153, %add3A_160, %add3A_167 : vector<16xf32>, vector<16xf32>, vector<16xf32>, vector<16xf32>, vector<16xf32>, vector<16xf32>, vector<16xf32>, vector<16xf32>
    }
    %scan3A_34 = arith.constant 100 : i32
    %add3A_35 = arith.addf %scan3A_33#0, %scan3A_33#4 : vector<16xf32>
    %swap3A = arith.constant 126 : i32
    %swap3A_36 = arith.index_cast %swap3A : i32 to index
    %swap3A_37 = arith.constant 0 : index
    %swap3A_38 = tpu.vector_load %arg9[%swap3A_36, %swap3A_37] {strides = array<i32>} : memref<128x64xf32, #tpu.memory_space<vmem>>, vector<1x16xf32>,
    %swap3A_39 = vector.shape_cast %swap3A_38 : vector<1x16xf32> to vector<16xf32>
    %swap3A_40 = vector.shape_cast %add3A_35 : vector<16xf32> to vector<1x16xf32>
    tpu.vector_store %arg9[%swap3A_36, %swap3A_37], %swap3A_40 {strides = array<i32>} : memref<128x64xf32, #tpu.memory_space<vmem>>, vector<1x16xf32>,
    %add3A_41 = arith.addf %scan3A_33#1, %scan3A_33#5 : vector<16xf32>
    %swap3A_42 = arith.constant 126 : i32
    %swap3A_43 = arith.index_cast %swap3A_42 : i32 to index
    %swap3A_44 = arith.constant 16 : index
    %swap3A_45 = tpu.vector_load %arg9[%swap3A_43, %swap3A_44] {strides = array<i32>} : memref<128x64xf32, #tpu.memory_space<vmem>>, vector<1x16xf32>,
    %swap3A_46 = vector.shape_cast %swap3A_45 : vector<1x16xf32> to vector<16xf32>
    %swap3A_47 = vector.shape_cast %add3A_41 : vector<16xf32> to vector<1x16xf32>
    tpu.vector_store %arg9[%swap3A_43, %swap3A_44], %swap3A_47 {strides = array<i32>} : memref<128x64xf32, #tpu.memory_space<vmem>>, vector<1x16xf32>,
    %add3A_48 = arith.addf %scan3A_33#2, %scan3A_33#6 : vector<16xf32>
    %swap3A_49 = arith.constant 126 : i32
    %swap3A_50 = arith.index_cast %swap3A_49 : i32 to index
    %swap3A_51 = arith.constant 32 : index
    %swap3A_52 = tpu.vector_load %arg9[%swap3A_50, %swap3A_51] {strides = array<i32>} : memref<128x64xf32, #tpu.memory_space<vmem>>, vector<1x16xf32>,
    %swap3A_53 = vector.shape_cast %swap3A_52 : vector<1x16xf32> to vector<16xf32>
    %swap3A_54 = vector.shape_cast %add3A_48 : vector<16xf32> to vector<1x16xf32>
    tpu.vector_store %arg9[%swap3A_50, %swap3A_51], %swap3A_54 {strides = array<i32>} : memref<128x64xf32, #tpu.memory_space<vmem>>, vector<1x16xf32>,
    %add3A_55 = arith.addf %scan3A_33#3, %scan3A_33#7 : vector<16xf32>
    %swap3A_56 = arith.constant 126 : i32
    %swap3A_57 = arith.index_cast %swap3A_56 : i32 to index
    %swap3A_58 = arith.constant 48 : index
    %swap3A_59 = tpu.vector_load %arg9[%swap3A_57, %swap3A_58] {strides = array<i32>} : memref<128x64xf32, #tpu.memory_space<vmem>>, vector<1x16xf32>,
    %swap3A_60 = vector.shape_cast %swap3A_59 : vector<1x16xf32> to vector<16xf32>
    %swap3A_61 = vector.shape_cast %add3A_55 : vector<16xf32> to vector<1x16xf32>
    tpu.vector_store %arg9[%swap3A_57, %swap3A_58], %swap3A_61 {strides = array<i32>} : memref<128x64xf32, #tpu.memory_space<vmem>>, vector<1x16xf32>,
    %broadcast_in_dim3A_62 = arith.constant 0.000000e+00 : f32
    %broadcast_in_dim3A_63 = vector.broadcast %broadcast_in_dim3A_62 : f32 to vector<16xf32>
    %scan3A_64 = arith.constant 0 : i32
    %scan3A_65 = arith.constant 100 : i32
    %scan3A_66 = arith.addi %scan3A_64, %scan3A_65 : i32
    %scan3A_67 = arith.constant 1 : i32
    %scan3A_68:8 = scf.for %scan3A_100 = %scan3A_64 to %scan3A_66 step %scan3A_67 iter_args(%scan3A_101 = %broadcast_in_dim3A_63, %scan3A_102 = %broadcast_in_dim3A_63, %scan3A_103 = %broadcast_in_dim3A_63, %scan3A_104 = %broadcast_in_dim3A_63, %scan3A_105 = %broadcast_in_dim3A_63, %scan3A_106 = %broadcast_in_dim3A_63, %scan3A_107 = %broadcast_in_dim3A_63, %scan3A_108 = %broadcast_in_dim3A_63) -> (vector<16xf32>, vector<16xf32>, vector<16xf32>, vector<16xf32>, vector<16xf32>, vector<16xf32>, vector<16xf32>, vector<16xf32>)  : i32 {
      %mul3A_109 = arith.constant 2 : i32
      %mul3A_110 = arith.muli %mul3A_109, %scan3A_100 : i32
      %add3A_111 = arith.constant 200 : i32
      %add3A_112 = arith.addi %add3A_111, %mul3A_110 : i32
      %add3A_113 = arith.constant 0 : i32
      %add3A_114 = arith.addi %add3A_112, %add3A_113 : i32
      %get3A = arith.index_cast %add3A_114 : i32 to index
      %get3A_115 = arith.constant 0 : index
      %get3A_116 = tpu.vector_load %arg6[%get3A, %get3A_115] {strides = array<i32>} : memref<400x64xf32, #tpu.memory_space<vmem>>, vector<1x16xf32>,
      %get3A_117 = vector.shape_cast %get3A_116 : vector<1x16xf32> to vector<16xf32>
      %add3A_118 = arith.addf %scan3A_101, %get3A_117 : vector<16xf32>
      %add3A_119 = arith.constant 0 : i32
      %add3A_120 = arith.addi %add3A_112, %add3A_119 : i32
      %get3A_121 = arith.index_cast %add3A_120 : i32 to index
      %get3A_122 = arith.constant 16 : index
      %get3A_123 = tpu.vector_load %arg6[%get3A_121, %get3A_122] {strides = array<i32>} : memref<400x64xf32, #tpu.memory_space<vmem>>, vector<1x16xf32>,
      %get3A_124 = vector.shape_cast %get3A_123 : vector<1x16xf32> to vector<16xf32>
      %add3A_125 = arith.addf %scan3A_102, %get3A_124 : vector<16xf32>
      %add3A_126 = arith.constant 0 : i32
      %add3A_127 = arith.addi %add3A_112, %add3A_126 : i32
      %get3A_128 = arith.index_cast %add3A_127 : i32 to index
      %get3A_129 = arith.constant 32 : index
      %get3A_130 = tpu.vector_load %arg6[%get3A_128, %get3A_129] {strides = array<i32>} : memref<400x64xf32, #tpu.memory_space<vmem>>, vector<1x16xf32>,
      %get3A_131 = vector.shape_cast %get3A_130 : vector<1x16xf32> to vector<16xf32>
      %add3A_132 = arith.addf %scan3A_103, %get3A_131 : vector<16xf32>
      %add3A_133 = arith.constant 0 : i32
      %add3A_134 = arith.addi %add3A_112, %add3A_133 : i32
      %get3A_135 = arith.index_cast %add3A_134 : i32 to index
      %get3A_136 = arith.constant 48 : index
      %get3A_137 = tpu.vector_load %arg6[%get3A_135, %get3A_136] {strides = array<i32>} : memref<400x64xf32, #tpu.memory_space<vmem>>, vector<1x16xf32>,
      %get3A_138 = vector.shape_cast %get3A_137 : vector<1x16xf32> to vector<16xf32>
      %add3A_139 = arith.addf %scan3A_104, %get3A_138 : vector<16xf32>
      %add3A_140 = arith.constant 1 : i32
      %add3A_141 = arith.addi %add3A_112, %add3A_140 : i32
      %get3A_142 = arith.index_cast %add3A_141 : i32 to index
      %get3A_143 = arith.constant 0 : index
      %get3A_144 = tpu.vector_load %arg6[%get3A_142, %get3A_143] {strides = array<i32>} : memref<400x64xf32, #tpu.memory_space<vmem>>, vector<1x16xf32>,
      %get3A_145 = vector.shape_cast %get3A_144 : vector<1x16xf32> to vector<16xf32>
      %add3A_146 = arith.addf %scan3A_105, %get3A_145 : vector<16xf32>
      %add3A_147 = arith.constant 1 : i32
      %add3A_148 = arith.addi %add3A_112, %add3A_147 : i32
      %get3A_149 = arith.index_cast %add3A_148 : i32 to index
      %get3A_150 = arith.constant 16 : index
      %get3A_151 = tpu.vector_load %arg6[%get3A_149, %get3A_150] {strides = array<i32>} : memref<400x64xf32, #tpu.memory_space<vmem>>, vector<1x16xf32>,
      %get3A_152 = vector.shape_cast %get3A_151 : vector<1x16xf32> to vector<16xf32>
      %add3A_153 = arith.addf %scan3A_106, %get3A_152 : vector<16xf32>
      %add3A_154 = arith.constant 1 : i32
      %add3A_155 = arith.addi %add3A_112, %add3A_154 : i32
      %get3A_156 = arith.index_cast %add3A_155 : i32 to index
      %get3A_157 = arith.constant 32 : index
      %get3A_158 = tpu.vector_load %arg6[%get3A_156, %get3A_157] {strides = array<i32>} : memref<400x64xf32, #tpu.memory_space<vmem>>, vector<1x16xf32>,
      %get3A_159 = vector.shape_cast %get3A_158 : vector<1x16xf32> to vector<16xf32>
      %add3A_160 = arith.addf %scan3A_107, %get3A_159 : vector<16xf32>
      %add3A_161 = arith.constant 1 : i32
      %add3A_162 = arith.addi %add3A_112, %add3A_161 : i32
      %get3A_163 = arith.index_cast %add3A_162 : i32 to index
      %get3A_164 = arith.constant 48 : index
      %get3A_165 = tpu.vector_load %arg6[%get3A_163, %get3A_164] {strides = array<i32>} : memref<400x64xf32, #tpu.memory_space<vmem>>, vector<1x16xf32>,
      %get3A_166 = vector.shape_cast %get3A_165 : vector<1x16xf32> to vector<16xf32>
      %add3A_167 = arith.addf %scan3A_108, %get3A_166 : vector<16xf32>
      scf.yield %add3A_118, %add3A_125, %add3A_132, %add3A_139, %add3A_146, %add3A_153, %add3A_160, %add3A_167 : vector<16xf32>, vector<16xf32>, vector<16xf32>, vector<16xf32>, vector<16xf32>, vector<16xf32>, vector<16xf32>, vector<16xf32>
    }
    %scan3A_69 = arith.constant 100 : i32
    %add3A_70 = arith.addf %scan3A_68#0, %scan3A_68#4 : vector<16xf32>
    %swap3A_71 = arith.constant 127 : i32
    %swap3A_72 = arith.index_cast %swap3A_71 : i32 to index
    %swap3A_73 = arith.constant 0 : index
    %swap3A_74 = tpu.vector_load %arg9[%swap3A_72, %swap3A_73] {strides = array<i32>} : memref<128x64xf32, #tpu.memory_space<vmem>>, vector<1x16xf32>,
    %swap3A_75 = vector.shape_cast %swap3A_74 : vector<1x16xf32> to vector<16xf32>
    %swap3A_76 = vector.shape_cast %add3A_70 : vector<16xf32> to vector<1x16xf32>
    tpu.vector_store %arg9[%swap3A_72, %swap3A_73], %swap3A_76 {strides = array<i32>} : memref<128x64xf32, #tpu.memory_space<vmem>>, vector<1x16xf32>,
    %add3A_77 = arith.addf %scan3A_68#1, %scan3A_68#5 : vector<16xf32>
    %swap3A_78 = arith.constant 127 : i32
    %swap3A_79 = arith.index_cast %swap3A_78 : i32 to index
    %swap3A_80 = arith.constant 16 : index
    %swap3A_81 = tpu.vector_load %arg9[%swap3A_79, %swap3A_80] {strides = array<i32>} : memref<128x64xf32, #tpu.memory_space<vmem>>, vector<1x16xf32>,
    %swap3A_82 = vector.shape_cast %swap3A_81 : vector<1x16xf32> to vector<16xf32>
    %swap3A_83 = vector.shape_cast %add3A_77 : vector<16xf32> to vector<1x16xf32>
    tpu.vector_store %arg9[%swap3A_79, %swap3A_80], %swap3A_83 {strides = array<i32>} : memref<128x64xf32, #tpu.memory_space<vmem>>, vector<1x16xf32>,
    %add3A_84 = arith.addf %scan3A_68#2, %scan3A_68#6 : vector<16xf32>
    %swap3A_85 = arith.constant 127 : i32
    %swap3A_86 = arith.index_cast %swap3A_85 : i32 to index
    %swap3A_87 = arith.constant 32 : index
    %swap3A_88 = tpu.vector_load %arg9[%swap3A_86, %swap3A_87] {strides = array<i32>} : memref<128x64xf32, #tpu.memory_space<vmem>>, vector<1x16xf32>,
    %swap3A_89 = vector.shape_cast %swap3A_88 : vector<1x16xf32> to vector<16xf32>
    %swap3A_90 = vector.shape_cast %add3A_84 : vector<16xf32> to vector<1x16xf32>
    tpu.vector_store %arg9[%swap3A_86, %swap3A_87], %swap3A_90 {strides = array<i32>} : memref<128x64xf32, #tpu.memory_space<vmem>>, vector<1x16xf32>,
    %add3A_91 = arith.addf %scan3A_68#3, %scan3A_68#7 : vector<16xf32>
    %swap3A_92 = arith.constant 127 : i32
    %swap3A_93 = arith.index_cast %swap3A_92 : i32 to index
    %swap3A_94 = arith.constant 48 : index
    %swap3A_95 = tpu.vector_load %arg9[%swap3A_93, %swap3A_94] {strides = array<i32>} : memref<128x64xf32, #tpu.memory_space<vmem>>, vector<1x16xf32>,
    %swap3A_96 = vector.shape_cast %swap3A_95 : vector<1x16xf32> to vector<16xf32>
    %swap3A_97 = vector.shape_cast %add3A_91 : vector<16xf32> to vector<1x16xf32>
    tpu.vector_store %arg9[%swap3A_93, %swap3A_94], %swap3A_97 {strides = array<i32>} : memref<128x64xf32, #tpu.memory_space<vmem>>, vector<1x16xf32>,
    %mul3A_98 = arith.constant 128 : i32
    %mul3A_99 = arith.muli %add3A, %mul3A_98 : i32
    "tpu.region"() ({
      %run_scoped3A = tpu.sem_alloc : memref<!tpu.dma_semaphore, #tpu.memory_space<semaphore_mem>>
      %dma_start3A_100 = arith.constant 0 : i32
      %dma_start3A_101 = tpu.memref_slice %arg4[%mul3A_99, %dma_start3A_100] : memref<4096x64xf32, #tpu.memory_space<hbm>> -> memref<128x64xf32, #tpu.memory_space<hbm>>
      %dma_start3A_102 = arith.constant 0 : i32
      %dma_start3A_103 = tpu.memref_slice %arg4[%mul3A_99, %dma_start3A_102] : memref<4096x64xf32, #tpu.memory_space<hbm>> -> memref<128x64xf32, #tpu.memory_space<hbm>>
      tpu.enqueue_dma source(%arg9 : memref<128x64xf32, #tpu.memory_space<vmem>>) target(%dma_start3A_103 : memref<128x64xf32, #tpu.memory_space<hbm>>) target_semaphore(%run_scoped3A : memref<!tpu.dma_semaphore, #tpu.memory_space<semaphore_mem>>)
      %dma_wait3A_104 = arith.constant 0 : i32
      %dma_wait3A_105 = tpu.memref_slice %arg4[%mul3A_99, %dma_wait3A_104] : memref<4096x64xf32, #tpu.memory_space<hbm>> -> memref<128x64xf32, #tpu.memory_space<hbm>>
      %dma_wait3A_106 = arith.constant 0 : i32
      %dma_wait3A_107 = tpu.memref_slice %arg4[%mul3A_99, %dma_wait3A_106] : memref<4096x64xf32, #tpu.memory_space<hbm>> -> memref<128x64xf32, #tpu.memory_space<hbm>>
      tpu.wait_dma2 semaphore(%run_scoped3A : memref<!tpu.dma_semaphore, #tpu.memory_space<semaphore_mem>>) src(%arg9 : memref<128x64xf32, #tpu.memory_space<vmem>>) dst(%dma_wait3A_107 : memref<128x64xf32, #tpu.memory_space<hbm>>)
      tpu.yield
    }) : () -> ()
    return
  }
}

</mosaic_0001>

<sc_bundles>
// kernel: _sc_pool.3.cloned.1.call-start
scs
__scs_entry_jumppad:
0x0: {  	(pc) =	sbr.rel $0x88, $3  }
0x1: {  	(tag) =	ssettag $0x0;
	lr =	simm.s32 $0x1  }
0x2: {  	[smem:$0x3F9F] =	sst lr;
	_ =	strace $0xD0000000  }
0x3: {  	_ = 	snop  }
0x4: {  	_ = 	snop  }
0x5: {  	_ = 	snop  }
0x6: {  	_ = 	snop  }
0x7: {  	_ = 	snop  }
__scs_overlays_trampoline_lowered:
0x8: {  	[smem:$0x3FAE] =	sst s0  }
0x9: {  	[smem:$0x3FAF] =	sst s1  }
0xa: {  	[smem:$0x3FB0] =	sst s2  }
0xb: {  	[smem:$0x3FB1] =	sst s3  }
0xc: {  	[smem:$0x3FB2] =	sst s4  }
0xd: {  	[smem:$0x3FB3] =	sst s5  }
0xe: {  	[smem:$0x3FB4] =	sst s6  }
0xf: {  	[smem:$0x3FB5] =	sst s7  }
0x10: {  	[smem:$0x3FB6] =	sst s8  }
0x11: {  	[smem:$0x3FB7] =	sst s9;
	s0 =	simm.s32 @!p0 $0x0  }
0x12: {  	s1 =	sld [smem:$0x3F9D];
	s0 =	simm.s32 @p0 $0x1  }
0x13: {  	[smem:$0x3FB8] =	sst s0;
	s0 =	simm.s32 @!p1 $0x0  }
0x14: {  	s2 =	sld [smem:$0x3F9C];
	s0 =	simm.s32 @p1 $0x1  }
0x15: {  	[smem:$0x3FB9] =	sst s0;
	s0 =	simm.s32 @!p2 $0x0  }
0x16: {  	s3 =	sld [smem:$0x3FDB];
	s0 =	simm.s32 @p2 $0x1  }
0x17: {  	s4 =	simm.s32 $0x1BF5;
	[smem:$0x3FBB] =	sst s0  }
0x18: {  	s0 =	sld [smem:$0x3F9E];
	_ =	swait.ge [sflag:s4], $0x0  }
0x19: {  	s7 =	sld [smem:$0x3F9F]  }
0x1a: {  	s8 =	sadd.s32 $0xFFFFE003, lr  }
0x1b: {  	s9 =	sadd.s32 $0xFFFFFEF7, lr;
	s5 =	simm.s32 $0xFFFFFFFF;
	p2 =	slt.u32 s8, $0xFFFFF086  }
0x1c: {  	p1 =	slt.u32 s9, $0xF7A;
	s5 =	simm.s32 @!p2 $0x0  }
0x1d: {  	s5 =	simm.s32 @p1 $0x1;
	p0 =	seq.s32 s7, s2  }
0x1e: {  	s7 =	smul.u32 @!p0 $0xF7A, s2;
	p2 =	seq.s32 @!p0 s5, $0x0  }
0x1f: {  	s9 =	smul.u32 $0xF7A, s1;
	s8 =	simm.s32 @!p0 $0x1BF5;
	p2 =	por !p2, p0  }
0x20: {  	[sflag:s8] =	ssyncset.s32 @!p0 $0xFFFFF086;
	s6 =	sadd.s32 @!p0 s3, s7;
	s7 =	simm.s32 @!p0 $0x108  }
0x21: {  	s3 =	sadd.s32 s3, s9;
	s6 =	sadd.s32 @!p0 $0x88, s6;
	s7 =	simm.s32 @p2 $0x1082  }
0x22: {  	[simem:s7], [sflag:s8] =	dma.local @!p0 [hbm:s6], $0xF7A  }
0x23: {  	s9 =	sor.u32 $0xD0000000, s2;
	s6 =	simm.s32 $0x108;
	_ =	swait.ge @!p0 [sflag:s8], $0x0  }
0x24: {  	s3 =	sadd.s32 $0x88, s3;
	s6 =	simm.s32 @!p1 $0x1082;
	[sflag:s4] =	ssyncset.s32 $0xFFFFF086  }
0x25: {  	[simem:s6], [sflag:s4] =	dma.local [hbm:s3], $0xF7A  }
0x26: {  	[smem:$0x3F9F] =	sst s1;
	(tag) =	ssettag s2;
	_ =	strace s9  }
0x27: {  	s1 =	sld [smem:$0x3FAF]  }
0x28: {  	s2 =	sld [smem:$0x3FB0]  }
0x29: {  	s4 =	sld [smem:$0x3FB2]  }
0x2a: {  	p0 =	seq.s32 s5, $0x0;
	s5 =	sld [smem:$0x3FB3]  }
0x2b: {  	s6 =	sld [smem:$0x3FB4]  }
0x2c: {  	s7 =	sld [smem:$0x3FB5]  }
0x2d: {  	s3 =	simm.s32 $0x108;
	s8 =	sld [smem:$0x3FB6]  }
0x2e: {  	s3 =	simm.s32 @!p0 $0x1082;
	s9 =	sld [smem:$0x3FB7]  }
0x2f: {  	lr =	sadd.s32 s0, s3;
	s0 =	sld [smem:$0x3FAE]  }
0x30: {  	s3 =	sld [smem:$0x3FB1]  }
0x31: {  	[smem:$0x3FBA] =	sst s10  }
0x32: {  	s10 =	sld [smem:$0x3FB8];
	_ =	sdelay $0x3  }
0x33: {  	p0 =	seq.s32 s10, $0x1;
	s10 =	sld [smem:$0x3FBA];
	_ =	sdelay $0x3  }
0x34: {  	[smem:$0x3FBA] =	sst s10  }
0x35: {  	s10 =	sld [smem:$0x3FB9];
	_ =	sdelay $0x3  }
0x36: {  	p1 =	seq.s32 s10, $0x1;
	s10 =	sld [smem:$0x3FBA];
	_ =	sdelay $0x3  }
0x37: {  	[smem:$0x3FBA] =	sst s10  }
0x38: {  	s10 =	sld [smem:$0x3FBB]  }
0x39: {  	_ = 	snop;
	(pc) =	sbr.ind lr, $3  }
0x3a: {  	_ = 	snop  }
0x3b: {  	_ = 	snop  }
0x3c: {  	p2 =	seq.s32 s10, $0x1;
	s10 =	sld [smem:$0x3FBA]  }
0x3d: {  	_ =	shalt  }
0x3e: {  	_ =	shalt  }
0x3f: {  	_ =	shalt  }
0x40: {  	_ =	shalt  }
0x41: {  	_ =	shalt  }
0x42: {  	_ =	shalt  }
0x43: {  	_ =	shalt  }
0x44: {  	_ =	shalt  }
0x45: {  	_ =	shalt  }
0x46: {  	_ =	shalt  }
0x47: {  	_ =	shalt  }
0x48: {  	_ =	shalt  }
0x49: {  	_ =	shalt  }
0x4a: {  	_ =	shalt  }
0x4b: {  	_ =	shalt  }
0x4c: {  	_ =	shalt  }
0x4d: {  	_ =	shalt  }
0x4e: {  	_ =	shalt  }
0x4f: {  	_ =	shalt  }
0x50: {  	_ =	shalt  }
0x51: {  	_ =	shalt  }
0x52: {  	_ =	shalt  }
0x53: {  	_ =	shalt  }
0x54: {  	_ =	shalt  }
0x55: {  	_ =	shalt  }
0x56: {  	_ =	shalt  }
0x57: {  	_ =	shalt  }
0x58: {  	_ =	shalt  }
0x59: {  	_ =	shalt  }
0x5a: {  	_ =	shalt  }
0x5b: {  	_ =	shalt  }
0x5c: {  	_ =	shalt  }
0x5d: {  	_ =	shalt  }
0x5e: {  	_ =	shalt  }
0x5f: {  	_ =	shalt  }
0x60: {  	_ =	shalt  }
0x61: {  	_ =	shalt  }
0x62: {  	_ =	shalt  }
0x63: {  	_ =	shalt  }
0x64: {  	_ =	shalt  }
0x65: {  	_ =	shalt  }
0x66: {  	_ =	shalt  }
0x67: {  	_ =	shalt  }
0x68: {  	_ =	shalt  }
0x69: {  	_ =	shalt  }
0x6a: {  	_ =	shalt  }
0x6b: {  	_ =	shalt  }
0x6c: {  	_ =	shalt  }
0x6d: {  	_ =	shalt  }
0x6e: {  	_ =	shalt  }
0x6f: {  	_ =	shalt  }
0x70: {  	_ =	shalt  }
0x71: {  	_ =	shalt  }
0x72: {  	_ =	shalt  }
0x73: {  	_ =	shalt  }
0x74: {  	_ =	shalt  }
0x75: {  	_ =	shalt  }
0x76: {  	_ =	shalt  }
0x77: {  	_ =	shalt  }
0x78: {  	_ =	shalt  }
0x79: {  	_ =	shalt  }
0x7a: {  	_ =	shalt  }
0x7b: {  	_ =	shalt  }
0x7c: {  	_ =	shalt  }
0x7d: {  	_ =	shalt  }
0x7e: {  	_ =	shalt  }
0x7f: {  	_ =	shalt  }
0x80: {  	_ =	shalt  }
0x81: {  	_ =	shalt  }
0x82: {  	_ =	shalt  }
0x83: {  	_ =	shalt  }
0x84: {  	_ =	shalt  }
0x85: {  	_ =	shalt  }
0x86: {  	_ =	shalt  }
0x87: {  	_ =	shalt  }
.Lfunc_end0:
.L_simem_size_0:
called_computation_lowered:
.L_overlay_start_0:
0x88: {  	s2 =	sld [smem:$0x3FD9]  }
0x89: {  	s3 =	sld [smem:$0x3FFE];
	_ =	sdelay $0x1  }
0x8a: {  	s1 =	srdreg.scid  }
0x8b: {  	s0 =	sand.u32 $0x1, s1  }
0x8c: {  	s17 =	sshll.u32 s0, $0xA;
	s2 =	sadd.s32 s3, s2  }
0x8d: {  	s2 =	sadd.s32 s2, s17  }
0x8e: {  	[smem:$0x3FC6] =	sst s2  }
0x8f: {  	_ = 	snop  }
0x90: {  	s2 =	sld [smem:$0x3FC9]  }
0x91: {  	s18 =	sld [smem:$0x3FD0];
	(tm) =	ssettm $0x1  }
0x92: {  	s4 =	sld [smem:$0x3FFB];
	_ =	sdelay $0x3  }
0x93: {  	_ =	strace s4  }
0x94: {  	s4 =	sld [smem:$0x3FFC];
	_ =	sdelay $0x3  }
0x95: {  	_ =	strace s4  }
0x96: {  	s4 =	sld [smem:$0x3FFD];
	_ =	sdelay $0x3  }
0x97: {  	_ =	strace s4  }
0x98: {  	_ =	strace $0x8FFFFFFF  }
0x99: {  	s19 =	sld [smem:$0x3FDB];
	_ =	sdelay $0x1  }
0x9a: {  	s5 =	simm.s32 $_scs_section_size  }
0x9b: {  	s6 =	simm.s32 $_size__tile_overlayer_lowered;
	s7 =	simm.s32 $_tile_overlayer_lowered  }
0x9c: {  	s22 =	simm.s32 $0x1BFF;
	s21 =	sshll.u32 s7, $0x1;
	s4 =	sadd.s32 s5, s19  }
0x9d: {  	s8 =	simm.s32 $0x0;
	s20 =	sshll.u32 s6, $0x1;
	s6 =	sadd.s32 s21, s4  }
0x9e: {  	[timem:s8], [sflag:s22] =	dma.local [hbm:s6], s20  }
0x9f: {  	_ =	swait.ge [sflag:s22], s20  }
0xa0: {  	s5 =	ssub.s32 $0x0, s20;
	[sflag:s22] =	ssyncset.done $0x0  }
0xa1: {  	[sflag:s22] =	ssyncadd.s32 s5;
	_ =	sdelay $0x1  }
0xa2: {  	s23 =	simm.s32 $0x1B8B  }
0xa3: {  	_ =	swait.ge [sflag:s23], $0x1  }
0xa4: {  	[sflag:s23] =	ssyncset.done $0x0  }
0xa5: {  	s25 =	simm.s32 $0x1B8E;
	s24 =	sld [smem:$0x3FFE];
	[sflag:s23] =	ssyncadd.s32 $0xFFFFFFFF  }
0xa6: {  	s26 =	simm.s32 $execute0_lowered;
	[smem:$0x3FD2] =	sst s25  }
0xa7: {  	s6 =	sshll.u32 s26, $0x1;
	_ =	strace $0x80000046;
	[dreg:$0x1] =	wrdreg $0xFFFFFFFF  }
0xa8: {  	s28 =	simm.s32 $_size_execute0_lowered;
	s4 =	sadd.s32 s4, s6;
	[dreg:$0x0] =	wrdreg $0x0  }
0xa9: {  	s6 =	sshll.u32 s28, $0x1;
	[dreg:$0x2] =	wrdreg s4  }
0xaa: {  	[dreg:$0x3] =	wrdreg s6  }
0xab: {  	[dreg:$0x4] =	wrdreg $0xC0  }
0xac: {  	_ =	task [dreg:s8], $0x5FFFF  }
0xad: {  	[dreg:$0x1] =	wrdreg $0xFFFFFFFF  }
0xae: {  	[dreg:$0x0] =	wrdreg $0x60  }
0xaf: {  	[dreg:$0x2] =	wrdreg s2  }
0xb0: {  	[dreg:$0x3] =	wrdreg s24  }
0xb1: {  	[dreg:$0x4] =	wrdreg s18  }
0xb2: {  	[dreg:$0x5] =	wrdreg $0x9  }
0xb3: {  	_ =	task.clear_ibuf [dreg:s8], $0x6FFFF;
	_ =	strace $0x90000046  }
0xb4: {  	s29 =	simm.s32 $0x9;
	_ =	strace $0x80000048  }
0xb5: {  	_ =	swait.ge [sflag:s29], $0x1  }
0xb6: {  	[sflag:s29] =	ssyncadd.s32 $0xFFFFFFFF  }
0xb7: {  	_ =	strace $0x90000048  }
0xb8: {  	_ =	sfence  }
0xb9: {  	s30 =	sld [smem:$0x0];
	_ =	sdelay $0x2  }
0xba: {  	s31 =	sshll.u32 s1, $0xD;
	s1 =	sshrl.u32 s1, $0x2  }
0xbb: {  	s3 =	sand.u32 $0x4000, s31;
	s1 =	sadd.s32 s1, s30  }
0xbc: {  	s0 =	sor.u32 s3, s0;
	s1 =	sshll.u32 s1, $0x11  }
0xbd: {  	s0 =	sor.u32 s1, s0  }
0xbe: {  	s0 =	sadd.s32 $0x8F2B, s0  }
0xbf: {  	[sflag:s0] =	ssyncadd.remote.s32 $0x1  }
0xc0: {  	_ =	sfence.sel $0xFFFF  }
0xc1: {  	[dreg:$0x0] =	wrdreg $0xFFFFFFFF;
	(pc) =	sbr.abs _section_cstart, $3  }
0xc2: {  	[dreg:$0x1] =	wrdreg $0xFFFFFFFF  }
0xc3: {  	_ =	task.clear_ibuf [dreg:s8], $0x2FFFF;
	_ =	strace $0x9FFFFFFF  }
0xc4: {  	(tm) =	ssettm $0x7FFFFFFF  }
0xc5: {  	_ =	shalt  }
tec
execute0_lowered:
.L_overlay_start_1:
0x0: {  	(tag) =	ssettag $0x1  }
0x1: {  	s4 =	rddreg [dreg:$0x0]  }
0x2: {  	s3 =	rddreg [dreg:$0x1]  }
0x3: {  	s5 =	rddreg [dreg:$0x2]  }
0x4: {  	s0 =	rddreg [dreg:$0x3];
	s6 =	srdreg.scid  }
0x5: {  	s1 =	stileid.u32;
	s2 =	simm.s32 $0x0;
	s10 =	simm.s32 $0xC800  }
0x6: {  	s11 =	simm.s32 $0x320;
	s12 =	simm.s32 $0x12C00;
	s13 =	simm.s32 $0x1  }
0x7: {  	s14 =	simm.s32 $0x2;
	s15 =	simm.s32 $0x3;
	s16 =	simm.s32 $0x19000  }
0x8: {  	s17 =	simm.s32 $0x0;
	s6 =	sand.u32 $0x1, s6;
	s7 =	sshll.u32 s1, $0x1  }
0x9: {  	[smem:$0x7FF] =	sst s2;
	s7 =	sor.u32 s6, s7;
	s6 =	ssub.s32 $0x2, s6  }
0xa: {  	s3 =	sadd.s32 $0xF42800, s3;
	_ =	strace $0x80000047;
	s9 =	sshrl.u32 s6, $0x1  }
0xb: {  	s8 =	smul.u32 $0xC80, s7;
	s7 =	sshll.u32 s7, $0xA;
	s6 =	ssub.s32 s6, s9  }
0xc: {  	s5 =	sadd.s32 s5, s7;
	s7 =	simm.s32 $0x4;
	s9 =	simm.s32 $0x6400  }
0xd: {  	s4 =	sadd.s32 s4, s8;
	s6 =	smax.u32 s6, $0x1;
	s8 =	simm.s32 $0x190  }
.LBB2_1:
0xe: {  	[tilespmem:s2], [sflag:$0x4] =	stream.linear.gather [hbm4b:s4+s2], $0x6400, $0x38;
	[tilespmem:$0x1B000] =	vst v63  }
0xf: {  	_ =	swait.ge [sflag:s7], $0x6400  }
0x10: {  	[sflag:s7] =	ssyncset.done $0x0  }
0x11: {  	[sflag:s7] =	ssyncadd.s32 $0xFFFF9C00  }
0x12: {  	[tilespmem:s9], [sflag:$0x1] =	stream.indirect.gather [hbm4b:s3+s8], $0x40, s2, s8, $0xb8;
	[tilespmem:$0x1B000] =	vst v63  }
0x13: {  	_ = 	snop  }
0x14: {  	[tilespmem:s10], [sflag:$0x2] =	stream.indirect.gather [hbm4b:s3+s8], $0x40, s8, s8, $0xb8;
	[tilespmem:$0x1B000] =	vst v63  }
0x15: {  	s18 =	simm.s32 $0x0  }
0x16: {  	[tilespmem:s12], [sflag:$0x3] =	stream.indirect.gather [hbm4b:s3+s8], $0x40, s11, s8, $0xb8;
	[tilespmem:$0x1B000] =	vst v63  }
.LBB2_2:
0x17: {  	_ =	swait.ge [sflag:s13], $0x6400  }
0x18: {  	[sflag:s13] =	ssyncset.done $0x0  }
0x19: {  	s21 =	simm.s32 $0x0;
	[sflag:s13] =	ssyncadd.s32 $0xFFFF9C00  }
0x1a: {  	v0 =	vld [tilespmem:s21+$0x6470]  }
0x1b: {  	v1 =	vld [tilespmem:s21+$0x6400]  }
0x1c: {  	v2 =	vld [tilespmem:s21+$0x6410]  }
0x1d: {  	v5 =	vld [tilespmem:s21+$0x6420]  }
0x1e: {  	v6 =	vld [tilespmem:s21+$0x6430]  }
0x1f: {  	v3 =	vimm.f32 $0.0e+00;
	v4 =	vimm.f32 $0.0e+00;
	v7 =	vld [tilespmem:s21+$0x6440]  }
0x20: {  	v10 =	vimm.f32 $0.0e+00;
	v8 =	vimm.f32 $0.0e+00;
	v11 =	vld [tilespmem:s21+$0x6450];
	v0 =	vadd.f32 v0, v3  }
0x21: {  	s19 =	simm.s32 $0x80;
	s20 =	simm.s32 $0x400;
	v9 =	vimm.f32 $0.0e+00;
	v12 =	vld [tilespmem:s21+$0x6460];
	v1 =	vadd.f32 v1, v3;
	v2 =	vadd.f32 v2, v3  }
.LBB2_3:
0x22: {  	p0 =	sne.s32 s20, $0xC600;
	v13 =	vld [tilespmem:s19+$0x6470];
	v3 =	vadd.f32 v5, v3  }
0x23: {  	v14 =	vld [tilespmem:s19+$0x6400];
	v4 =	vadd.f32 v6, v4  }
0x24: {  	v15 =	vld [tilespmem:s19+$0x6410];
	v10 =	vadd.f32 v7, v10  }
.Ltmp0:
0x25: {  	v5 =	vld [tilespmem:s19+$0x6420];
	v8 =	vadd.f32 v11, v8;
	(pc) =	sbr.rel @p0 .LBB2_3-.Ltmp0, $4  }
0x26: {  	v6 =	vld [tilespmem:s19+$0x6430];
	v9 =	vadd.f32 v12, v9  }
0x27: {  	v7 =	vld [tilespmem:s19+$0x6440];
	v0 =	vadd.f32 v13, v0  }
0x28: {  	v1 =	vadd.f32 v14, v1;
	v11 =	vld [tilespmem:s19+$0x6450]  }
0x29: {  	v2 =	vadd.f32 v15, v2;
	v12 =	vld [tilespmem:s19+$0x6460];
	s19 =	sshra.s32 s20, $0x2;
	s20 =	sadd.s32 $0x200, s20  }
0x2a: {  	v13 =	vld [tilespmem:s19+$0x6470]  }
0x2b: {  	v14 =	vld [tilespmem:s19+$0x6400]  }
0x2c: {  	v15 =	vld [tilespmem:s19+$0x6410]  }
0x2d: {  	v16 =	vld [tilespmem:s19+$0x6420]  }
0x2e: {  	v17 =	vld [tilespmem:s19+$0x6440]  }
0x2f: {  	v3 =	vadd.f32 v5, v3;
	v5 =	vld [tilespmem:s19+$0x6450]  }
0x30: {  	v4 =	vadd.f32 v6, v4;
	v6 =	vadd.f32 v7, v10;
	v7 =	vld [tilespmem:s19+$0x6460]  }
0x31: {  	v10 =	vld [tilespmem:s19+$0x6430];
	v8 =	vadd.f32 v11, v8;
	v9 =	vadd.f32 v12, v9  }
0x32: {  	v0 =	vadd.f32 v13, v0;
	v1 =	vadd.f32 v14, v1  }
0x33: {  	v2 =	vadd.f32 v15, v2;
	v6 =	vadd.f32 v17, v6  }
0x34: {  	s31 =	smul.u32 $0x600, s18;
	v3 =	vadd.f32 v16, v3;
	v5 =	vadd.f32 v5, v8  }
0x35: {  	v7 =	vadd.f32 v7, v9;
	v1 =	vadd.f32 v6, v1  }
0x36: {  	s19 =	sshra.s32 s31, $0x2;
	v4 =	vadd.f32 v10, v4;
	v2 =	vadd.f32 v5, v2  }
0x37: {  	[tilespmem:s19+$0x19000] =	vst v1;
	v1 =	vadd.f32 v7, v3  }
0x38: {  	[tilespmem:s19+$0x19010] =	vst v2;
	v0 =	vadd.f32 v0, v4  }
0x39: {  	[tilespmem:s19+$0x19020] =	vst v1  }
0x3a: {  	s22 =	simm.s32 $0x0;
	[tilespmem:s19+$0x19030] =	vst v0  }
0x3b: {  	v0 =	vld [tilespmem:s22+$0x9670]  }
0x3c: {  	v1 =	vld [tilespmem:s22+$0x9600]  }
0x3d: {  	v2 =	vld [tilespmem:s22+$0x9610]  }
0x3e: {  	v5 =	vld [tilespmem:s22+$0x9620]  }
0x3f: {  	v6 =	vld [tilespmem:s22+$0x9630]  }
0x40: {  	v8 =	vimm.f32 $0.0e+00;
	v3 =	vimm.f32 $0.0e+00;
	v7 =	vld [tilespmem:s22+$0x9640]  }
0x41: {  	v10 =	vimm.f32 $0.0e+00;
	v9 =	vimm.f32 $0.0e+00;
	v11 =	vld [tilespmem:s22+$0x9650];
	v0 =	vadd.f32 v0, v3  }
0x42: {  	s20 =	simm.s32 $0x80;
	s21 =	simm.s32 $0x400;
	v4 =	vimm.f32 $0.0e+00;
	v12 =	vld [tilespmem:s22+$0x9660];
	v1 =	vadd.f32 v1, v3;
	v2 =	vadd.f32 v2, v3  }
.LBB2_5:
0x43: {  	p0 =	sne.s32 s21, $0xC600;
	v13 =	vld [tilespmem:s20+$0x9670];
	v3 =	vadd.f32 v5, v3  }
0x44: {  	v14 =	vld [tilespmem:s20+$0x9600];
	v4 =	vadd.f32 v6, v4  }
0x45: {  	v15 =	vld [tilespmem:s20+$0x9610];
	v10 =	vadd.f32 v7, v10  }
.Ltmp1:
0x46: {  	v5 =	vld [tilespmem:s20+$0x9620];
	v8 =	vadd.f32 v11, v8;
	(pc) =	sbr.rel @p0 .LBB2_5-.Ltmp1, $4  }
0x47: {  	v6 =	vld [tilespmem:s20+$0x9630];
	v9 =	vadd.f32 v12, v9  }
0x48: {  	v7 =	vld [tilespmem:s20+$0x9640];
	v0 =	vadd.f32 v13, v0  }
0x49: {  	v1 =	vadd.f32 v14, v1;
	v11 =	vld [tilespmem:s20+$0x9650]  }
0x4a: {  	v2 =	vadd.f32 v15, v2;
	v12 =	vld [tilespmem:s20+$0x9660];
	s20 =	sshra.s32 s21, $0x2;
	s21 =	sadd.s32 $0x200, s21  }
0x4b: {  	v13 =	vld [tilespmem:s20+$0x9670]  }
0x4c: {  	v14 =	vld [tilespmem:s20+$0x9600]  }
0x4d: {  	v15 =	vld [tilespmem:s20+$0x9610]  }
0x4e: {  	v16 =	vld [tilespmem:s20+$0x9620]  }
0x4f: {  	v17 =	vld [tilespmem:s20+$0x9640]  }
0x50: {  	v3 =	vadd.f32 v5, v3;
	v5 =	vld [tilespmem:s20+$0x9650]  }
0x51: {  	v4 =	vadd.f32 v6, v4;
	v6 =	vadd.f32 v7, v10;
	v7 =	vld [tilespmem:s20+$0x9660]  }
0x52: {  	v10 =	vld [tilespmem:s20+$0x9630];
	v8 =	vadd.f32 v11, v8;
	v9 =	vadd.f32 v12, v9  }
0x53: {  	v0 =	vadd.f32 v13, v0;
	v1 =	vadd.f32 v14, v1  }
0x54: {  	v2 =	vadd.f32 v15, v2;
	v6 =	vadd.f32 v17, v6  }
0x55: {  	v3 =	vadd.f32 v16, v3;
	v5 =	vadd.f32 v5, v8  }
0x56: {  	v7 =	vadd.f32 v7, v9;
	v1 =	vadd.f32 v6, v1  }
0x57: {  	v4 =	vadd.f32 v10, v4;
	v2 =	vadd.f32 v5, v2  }
0x58: {  	s31 =	smul.u32 $0x12C0, s18;
	[tilespmem:s19+$0x19040] =	vst v1;
	v1 =	vadd.f32 v7, v3  }
0x59: {  	[tilespmem:s19+$0x19050] =	vst v2;
	v0 =	vadd.f32 v0, v4  }
0x5a: {  	s20 =	sshra.s32 s31, $0x2;
	[tilespmem:s19+$0x19060] =	vst v1  }
0x5b: {  	s21 =	sadd.s32 $0x4B0, s20;
	[tilespmem:s19+$0x19070] =	vst v0  }
0x5c: {  	[tilespmem:s9], [sflag:$0x1] =	stream.indirect.gather [hbm4b:s3+s8], $0x40, s21, s8, $0xb8;
	[tilespmem:$0x1B000] =	vst v63  }
0x5d: {  	_ =	swait.ge [sflag:s14], $0x6400  }
0x5e: {  	[sflag:s14] =	ssyncset.done $0x0  }
0x5f: {  	s23 =	simm.s32 $0x0;
	[sflag:s14] =	ssyncadd.s32 $0xFFFF9C00  }
0x60: {  	v0 =	vld [tilespmem:s23+$0xC870]  }
0x61: {  	v1 =	vld [tilespmem:s23+$0xC800]  }
0x62: {  	v2 =	vld [tilespmem:s23+$0xC810]  }
0x63: {  	v5 =	vld [tilespmem:s23+$0xC820]  }
0x64: {  	v6 =	vld [tilespmem:s23+$0xC830]  }
0x65: {  	v8 =	vimm.f32 $0.0e+00;
	v3 =	vimm.f32 $0.0e+00;
	v7 =	vld [tilespmem:s23+$0xC840]  }
0x66: {  	v10 =	vimm.f32 $0.0e+00;
	v9 =	vimm.f32 $0.0e+00;
	v11 =	vld [tilespmem:s23+$0xC850];
	v0 =	vadd.f32 v0, v3  }
0x67: {  	s22 =	simm.s32 $0x400;
	v4 =	vimm.f32 $0.0e+00;
	s21 =	simm.s32 $0x80;
	v12 =	vld [tilespmem:s23+$0xC860];
	v1 =	vadd.f32 v1, v3;
	v2 =	vadd.f32 v2, v3  }
.LBB2_7:
0x68: {  	p0 =	sne.s32 s22, $0xC600;
	v13 =	vld [tilespmem:s21+$0xC870];
	v3 =	vadd.f32 v5, v3  }
0x69: {  	v14 =	vld [tilespmem:s21+$0xC800];
	v4 =	vadd.f32 v6, v4  }
0x6a: {  	v15 =	vld [tilespmem:s21+$0xC810];
	v10 =	vadd.f32 v7, v10  }
.Ltmp2:
0x6b: {  	v5 =	vld [tilespmem:s21+$0xC820];
	v8 =	vadd.f32 v11, v8;
	(pc) =	sbr.rel @p0 .LBB2_7-.Ltmp2, $4  }
0x6c: {  	v6 =	vld [tilespmem:s21+$0xC830];
	v9 =	vadd.f32 v12, v9  }
0x6d: {  	v7 =	vld [tilespmem:s21+$0xC840];
	v0 =	vadd.f32 v13, v0  }
0x6e: {  	v1 =	vadd.f32 v14, v1;
	v11 =	vld [tilespmem:s21+$0xC850]  }
0x6f: {  	v2 =	vadd.f32 v15, v2;
	v12 =	vld [tilespmem:s21+$0xC860];
	s21 =	sshra.s32 s22, $0x2;
	s22 =	sadd.s32 $0x200, s22  }
0x70: {  	v13 =	vld [tilespmem:s21+$0xC870]  }
0x71: {  	v14 =	vld [tilespmem:s21+$0xC800]  }
0x72: {  	v15 =	vld [tilespmem:s21+$0xC810]  }
0x73: {  	v16 =	vld [tilespmem:s21+$0xC820]  }
0x74: {  	v17 =	vld [tilespmem:s21+$0xC840]  }
0x75: {  	v3 =	vadd.f32 v5, v3;
	v5 =	vld [tilespmem:s21+$0xC850]  }
0x76: {  	v4 =	vadd.f32 v6, v4;
	v6 =	vadd.f32 v7, v10;
	v7 =	vld [tilespmem:s21+$0xC860]  }
0x77: {  	v10 =	vld [tilespmem:s21+$0xC830];
	v8 =	vadd.f32 v11, v8;
	v9 =	vadd.f32 v12, v9  }
0x78: {  	v0 =	vadd.f32 v13, v0;
	v1 =	vadd.f32 v14, v1  }
0x79: {  	v2 =	vadd.f32 v15, v2;
	v6 =	vadd.f32 v17, v6  }
0x7a: {  	v3 =	vadd.f32 v16, v3;
	v5 =	vadd.f32 v5, v8  }
0x7b: {  	v7 =	vadd.f32 v7, v9;
	v1 =	vadd.f32 v6, v1  }
0x7c: {  	v4 =	vadd.f32 v10, v4;
	v2 =	vadd.f32 v5, v2  }
0x7d: {  	[tilespmem:s19+$0x19080] =	vst v1;
	v1 =	vadd.f32 v7, v3  }
0x7e: {  	[tilespmem:s19+$0x19090] =	vst v2;
	v0 =	vadd.f32 v0, v4  }
0x7f: {  	[tilespmem:s19+$0x190A0] =	vst v1  }
0x80: {  	s23 =	simm.s32 $0x0;
	[tilespmem:s19+$0x190B0] =	vst v0  }
0x81: {  	v0 =	vld [tilespmem:s23+$0xFA70]  }
0x82: {  	v1 =	vld [tilespmem:s23+$0xFA00]  }
0x83: {  	v2 =	vld [tilespmem:s23+$0xFA10]  }
0x84: {  	v5 =	vld [tilespmem:s23+$0xFA20]  }
0x85: {  	v6 =	vld [tilespmem:s23+$0xFA30]  }
0x86: {  	v8 =	vimm.f32 $0.0e+00;
	v3 =	vimm.f32 $0.0e+00;
	v7 =	vld [tilespmem:s23+$0xFA40]  }
0x87: {  	v10 =	vimm.f32 $0.0e+00;
	v9 =	vimm.f32 $0.0e+00;
	v11 =	vld [tilespmem:s23+$0xFA50];
	v0 =	vadd.f32 v0, v3  }
0x88: {  	s22 =	simm.s32 $0x400;
	s21 =	simm.s32 $0x80;
	v4 =	vimm.f32 $0.0e+00;
	v12 =	vld [tilespmem:s23+$0xFA60];
	v1 =	vadd.f32 v1, v3;
	v2 =	vadd.f32 v2, v3  }
.LBB2_9:
0x89: {  	p0 =	sne.s32 s22, $0xC600;
	v13 =	vld [tilespmem:s21+$0xFA70];
	v3 =	vadd.f32 v5, v3  }
0x8a: {  	v14 =	vld [tilespmem:s21+$0xFA00];
	v4 =	vadd.f32 v6, v4  }
0x8b: {  	v15 =	vld [tilespmem:s21+$0xFA10];
	v10 =	vadd.f32 v7, v10  }
.Ltmp3:
0x8c: {  	v5 =	vld [tilespmem:s21+$0xFA20];
	v8 =	vadd.f32 v11, v8;
	(pc) =	sbr.rel @p0 .LBB2_9-.Ltmp3, $4  }
0x8d: {  	v6 =	vld [tilespmem:s21+$0xFA30];
	v9 =	vadd.f32 v12, v9  }
0x8e: {  	v7 =	vld [tilespmem:s21+$0xFA40];
	v0 =	vadd.f32 v13, v0  }
0x8f: {  	v1 =	vadd.f32 v14, v1;
	v11 =	vld [tilespmem:s21+$0xFA50]  }
0x90: {  	v2 =	vadd.f32 v15, v2;
	v12 =	vld [tilespmem:s21+$0xFA60];
	s21 =	sshra.s32 s22, $0x2;
	s22 =	sadd.s32 $0x200, s22  }
0x91: {  	v13 =	vld [tilespmem:s21+$0xFA70]  }
0x92: {  	v14 =	vld [tilespmem:s21+$0xFA00]  }
0x93: {  	v15 =	vld [tilespmem:s21+$0xFA10]  }
0x94: {  	v16 =	vld [tilespmem:s21+$0xFA20]  }
0x95: {  	v17 =	vld [tilespmem:s21+$0xFA40]  }
0x96: {  	v3 =	vadd.f32 v5, v3;
	v5 =	vld [tilespmem:s21+$0xFA50]  }
0x97: {  	v4 =	vadd.f32 v6, v4;
	v6 =	vadd.f32 v7, v10;
	v7 =	vld [tilespmem:s21+$0xFA60]  }
0x98: {  	v10 =	vld [tilespmem:s21+$0xFA30];
	v8 =	vadd.f32 v11, v8;
	v9 =	vadd.f32 v12, v9  }
0x99: {  	v0 =	vadd.f32 v13, v0;
	v1 =	vadd.f32 v14, v1  }
0x9a: {  	v2 =	vadd.f32 v15, v2;
	v6 =	vadd.f32 v17, v6  }
0x9b: {  	v3 =	vadd.f32 v16, v3;
	v5 =	vadd.f32 v5, v8  }
0x9c: {  	v7 =	vadd.f32 v7, v9;
	v1 =	vadd.f32 v6, v1  }
0x9d: {  	v4 =	vadd.f32 v10, v4;
	v2 =	vadd.f32 v5, v2  }
0x9e: {  	[tilespmem:s19+$0x190C0] =	vst v1;
	v1 =	vadd.f32 v7, v3  }
0x9f: {  	[tilespmem:s19+$0x190D0] =	vst v2;
	v0 =	vadd.f32 v0, v4  }
0xa0: {  	p0 =	seq.s32 s18, $0x14;
	[tilespmem:s19+$0x190E0] =	vst v1  }
0xa1: {  	s22 =	simm.s32 @!p0 $0x190;
	s23 =	simm.s32 @!p0 $0xC800;
	s21 =	sadd.s32 @!p0 $0x640, s20;
	[tilespmem:s19+$0x190F0] =	vst v0  }
0xa2: {  	[tilespmem:s23], [sflag:$0x2] =	stream.indirect.gather @!p0 [hbm4b:s3+s22], $0x40, s21, s22, $0xb8;
	[tilespmem:$0x1B000] =	vst v63  }
0xa3: {  	_ =	swait.ge [sflag:s15], $0x6400  }
0xa4: {  	[sflag:s15] =	ssyncset.done $0x0  }
0xa5: {  	s31 =	simm.s32 $0x0;
	[sflag:s15] =	ssyncadd.s32 $0xFFFF9C00  }
0xa6: {  	v0 =	vld [tilespmem:s31+$0x12C70]  }
0xa7: {  	v1 =	vld [tilespmem:s31+$0x12C00]  }
0xa8: {  	v2 =	vld [tilespmem:s31+$0x12C10]  }
0xa9: {  	v5 =	vld [tilespmem:s31+$0x12C20]  }
0xaa: {  	v6 =	vld [tilespmem:s31+$0x12C30]  }
0xab: {  	v8 =	vimm.f32 $0.0e+00;
	v3 =	vimm.f32 $0.0e+00;
	v7 =	vld [tilespmem:s31+$0x12C40]  }
0xac: {  	v10 =	vimm.f32 $0.0e+00;
	v9 =	vimm.f32 $0.0e+00;
	v11 =	vld [tilespmem:s31+$0x12C50];
	v0 =	vadd.f32 v0, v3  }
0xad: {  	v4 =	vimm.f32 $0.0e+00;
	s21 =	simm.s32 $0x80;
	s22 =	simm.s32 $0x400;
	v12 =	vld [tilespmem:s31+$0x12C60];
	v1 =	vadd.f32 v1, v3;
	v2 =	vadd.f32 v2, v3  }
.LBB2_11:
0xae: {  	p1 =	sne.s32 s22, $0xC600;
	v13 =	vld [tilespmem:s21+$0x12C70];
	v3 =	vadd.f32 v5, v3  }
0xaf: {  	v14 =	vld [tilespmem:s21+$0x12C00];
	v4 =	vadd.f32 v6, v4  }
0xb0: {  	v15 =	vld [tilespmem:s21+$0x12C10];
	v10 =	vadd.f32 v7, v10  }
.Ltmp4:
0xb1: {  	v5 =	vld [tilespmem:s21+$0x12C20];
	v8 =	vadd.f32 v11, v8;
	(pc) =	sbr.rel @p1 .LBB2_11-.Ltmp4, $4  }
0xb2: {  	v6 =	vld [tilespmem:s21+$0x12C30];
	v9 =	vadd.f32 v12, v9  }
0xb3: {  	v7 =	vld [tilespmem:s21+$0x12C40];
	v0 =	vadd.f32 v13, v0  }
0xb4: {  	v1 =	vadd.f32 v14, v1;
	v11 =	vld [tilespmem:s21+$0x12C50]  }
0xb5: {  	v2 =	vadd.f32 v15, v2;
	v12 =	vld [tilespmem:s21+$0x12C60];
	s21 =	sshra.s32 s22, $0x2;
	s22 =	sadd.s32 $0x200, s22  }
0xb6: {  	v13 =	vld [tilespmem:s21+$0x12C70]  }
0xb7: {  	v14 =	vld [tilespmem:s21+$0x12C00]  }
0xb8: {  	v15 =	vld [tilespmem:s21+$0x12C10]  }
0xb9: {  	v16 =	vld [tilespmem:s21+$0x12C20]  }
0xba: {  	v17 =	vld [tilespmem:s21+$0x12C40]  }
0xbb: {  	v3 =	vadd.f32 v5, v3;
	v5 =	vld [tilespmem:s21+$0x12C50]  }
0xbc: {  	v4 =	vadd.f32 v6, v4;
	v6 =	vadd.f32 v7, v10;
	v7 =	vld [tilespmem:s21+$0x12C60]  }
0xbd: {  	v10 =	vld [tilespmem:s21+$0x12C30];
	v8 =	vadd.f32 v11, v8;
	v9 =	vadd.f32 v12, v9  }
0xbe: {  	v0 =	vadd.f32 v13, v0;
	v1 =	vadd.f32 v14, v1  }
0xbf: {  	v2 =	vadd.f32 v15, v2;
	v6 =	vadd.f32 v17, v6  }
0xc0: {  	v3 =	vadd.f32 v16, v3;
	v5 =	vadd.f32 v5, v8  }
0xc1: {  	v7 =	vadd.f32 v7, v9;
	v1 =	vadd.f32 v6, v1  }
0xc2: {  	v4 =	vadd.f32 v10, v4;
	v2 =	vadd.f32 v5, v2  }
0xc3: {  	[tilespmem:s19+$0x19100] =	vst v1;
	v1 =	vadd.f32 v7, v3  }
0xc4: {  	[tilespmem:s19+$0x19110] =	vst v2;
	v0 =	vadd.f32 v0, v4  }
0xc5: {  	[tilespmem:s19+$0x19120] =	vst v1  }
0xc6: {  	s23 =	simm.s32 $0x0;
	[tilespmem:s19+$0x19130] =	vst v0  }
0xc7: {  	v0 =	vld [tilespmem:s23+$0x15E70]  }
0xc8: {  	v1 =	vld [tilespmem:s23+$0x15E00]  }
0xc9: {  	v2 =	vld [tilespmem:s23+$0x15E10]  }
0xca: {  	v5 =	vld [tilespmem:s23+$0x15E20]  }
0xcb: {  	v6 =	vld [tilespmem:s23+$0x15E30]  }
0xcc: {  	v8 =	vimm.f32 $0.0e+00;
	v3 =	vimm.f32 $0.0e+00;
	v7 =	vld [tilespmem:s23+$0x15E40]  }
0xcd: {  	v10 =	vimm.f32 $0.0e+00;
	v9 =	vimm.f32 $0.0e+00;
	v11 =	vld [tilespmem:s23+$0x15E50];
	v0 =	vadd.f32 v0, v3  }
0xce: {  	s22 =	simm.s32 $0x400;
	s21 =	simm.s32 $0x80;
	v4 =	vimm.f32 $0.0e+00;
	v12 =	vld [tilespmem:s23+$0x15E60];
	v1 =	vadd.f32 v1, v3;
	v2 =	vadd.f32 v2, v3  }
.LBB2_13:
0xcf: {  	p1 =	sne.s32 s22, $0xC600;
	v13 =	vld [tilespmem:s21+$0x15E70];
	v3 =	vadd.f32 v5, v3  }
0xd0: {  	v14 =	vld [tilespmem:s21+$0x15E00];
	v4 =	vadd.f32 v6, v4  }
0xd1: {  	v15 =	vld [tilespmem:s21+$0x15E10];
	v10 =	vadd.f32 v7, v10  }
.Ltmp5:
0xd2: {  	v5 =	vld [tilespmem:s21+$0x15E20];
	v8 =	vadd.f32 v11, v8;
	(pc) =	sbr.rel @p1 .LBB2_13-.Ltmp5, $4  }
0xd3: {  	v6 =	vld [tilespmem:s21+$0x15E30];
	v9 =	vadd.f32 v12, v9  }
0xd4: {  	v7 =	vld [tilespmem:s21+$0x15E40];
	v0 =	vadd.f32 v13, v0  }
0xd5: {  	v1 =	vadd.f32 v14, v1;
	v11 =	vld [tilespmem:s21+$0x15E50]  }
0xd6: {  	v2 =	vadd.f32 v15, v2;
	v12 =	vld [tilespmem:s21+$0x15E60];
	s21 =	sshra.s32 s22, $0x2;
	s22 =	sadd.s32 $0x200, s22  }
0xd7: {  	v13 =	vld [tilespmem:s21+$0x15E70]  }
0xd8: {  	v14 =	vld [tilespmem:s21+$0x15E00]  }
0xd9: {  	v15 =	vld [tilespmem:s21+$0x15E10]  }
0xda: {  	v16 =	vld [tilespmem:s21+$0x15E20]  }
0xdb: {  	v17 =	vld [tilespmem:s21+$0x15E40]  }
0xdc: {  	v3 =	vadd.f32 v5, v3;
	v59 =	vld [tilespmem:s21+$0x15E50]  }
0xdd: {  	v62 =	vld [tilespmem:s21+$0x15E30];
	v4 =	vadd.f32 v6, v4;
	v60 =	vadd.f32 v7, v10  }
0xde: {  	v61 =	vld [tilespmem:s21+$0x15E60];
	v8 =	vadd.f32 v11, v8;
	v9 =	vadd.f32 v12, v9  }
0xdf: {  	v0 =	vadd.f32 v13, v0;
	v1 =	vadd.f32 v14, v1  }
0xe0: {  	v2 =	vadd.f32 v15, v2;
	v6 =	vadd.f32 v17, v60  }
0xe1: {  	v3 =	vadd.f32 v16, v3;
	v5 =	vadd.f32 v59, v8  }
0xe2: {  	v4 =	vadd.f32 v62, v4;
	v1 =	vadd.f32 v6, v1  }
.Ltmp6:
0xe3: {  	v7 =	vadd.f32 v61, v9;
	v2 =	vadd.f32 v5, v2;
	(pc) =	sbr.rel @p0 .LBB2_16-.Ltmp6, $4  }
0xe4: {  	v0 =	vadd.f32 v0, v4;
	[tilespmem:s19+$0x19140] =	vst v1  }
0xe5: {  	v63 =	vadd.f32 v7, v3;
	[tilespmem:s19+$0x19150] =	vst v2  }
0xe6: {  	[tilespmem:s19+$0x19170] =	vst v0  }
0xe7: {  	[tilespmem:s19+$0x19160] =	vst v63  }
.Ltmp7:
0xe8: {  	(pc) =	sbr.rel .LBB2_2-.Ltmp7, $3  }
0xe9: {  	_ =	sdelay $0x1  }
0xea: {  	s19 =	sadd.s32 $0x7D0, s20;
	s18 =	sadd.s32 $0x1, s18  }
0xeb: {  	[tilespmem:s12], [sflag:$0x3] =	stream.indirect.gather [hbm4b:s3+s8], $0x40, s19, s8, $0xb8;
	[tilespmem:$0x1B000] =	vst v63  }
.LBB2_16:
0xec: {  	_ =	swait.ge [sflag:s13], $0x6400  }
0xed: {  	[sflag:s13] =	ssyncset.done $0x0  }
0xee: {  	s20 =	simm.s32 $0x0;
	[sflag:s13] =	ssyncadd.s32 $0xFFFF9C00  }
0xef: {  	v0 =	vld [tilespmem:s20+$0x6470]  }
0xf0: {  	v1 =	vld [tilespmem:s20+$0x6400]  }
0xf1: {  	v2 =	vld [tilespmem:s20+$0x6410]  }
0xf2: {  	v5 =	vld [tilespmem:s20+$0x6420]  }
0xf3: {  	v6 =	vld [tilespmem:s20+$0x6430]  }
0xf4: {  	v3 =	vimm.f32 $0.0e+00;
	v4 =	vimm.f32 $0.0e+00;
	v7 =	vld [tilespmem:s20+$0x6440]  }
0xf5: {  	v10 =	vimm.f32 $0.0e+00;
	v8 =	vimm.f32 $0.0e+00;
	v11 =	vld [tilespmem:s20+$0x6450];
	v0 =	vadd.f32 v0, v3  }
0xf6: {  	s18 =	simm.s32 $0x80;
	s19 =	simm.s32 $0x400;
	v9 =	vimm.f32 $0.0e+00;
	v12 =	vld [tilespmem:s20+$0x6460];
	v1 =	vadd.f32 v1, v3;
	v2 =	vadd.f32 v2, v3  }
.LBB2_17:
0xf7: {  	p0 =	sne.s32 s19, $0xC600;
	v13 =	vld [tilespmem:s18+$0x6470];
	v3 =	vadd.f32 v5, v3  }
0xf8: {  	v14 =	vld [tilespmem:s18+$0x6400];
	v4 =	vadd.f32 v6, v4  }
0xf9: {  	v15 =	vld [tilespmem:s18+$0x6410];
	v10 =	vadd.f32 v7, v10  }
.Ltmp8:
0xfa: {  	v5 =	vld [tilespmem:s18+$0x6420];
	v8 =	vadd.f32 v11, v8;
	(pc) =	sbr.rel @p0 .LBB2_17-.Ltmp8, $4  }
0xfb: {  	v6 =	vld [tilespmem:s18+$0x6430];
	v9 =	vadd.f32 v12, v9  }
0xfc: {  	v7 =	vld [tilespmem:s18+$0x6440];
	v0 =	vadd.f32 v13, v0  }
0xfd: {  	v1 =	vadd.f32 v14, v1;
	v11 =	vld [tilespmem:s18+$0x6450]  }
0xfe: {  	v2 =	vadd.f32 v15, v2;
	v12 =	vld [tilespmem:s18+$0x6460];
	s18 =	sshra.s32 s19, $0x2;
	s19 =	sadd.s32 $0x200, s19  }
0xff: {  	v13 =	vld [tilespmem:s18+$0x6470]  }
0x100: {  	v14 =	vld [tilespmem:s18+$0x6400]  }
0x101: {  	v15 =	vld [tilespmem:s18+$0x6410]  }
0x102: {  	v16 =	vld [tilespmem:s18+$0x6420]  }
0x103: {  	v17 =	vld [tilespmem:s18+$0x6440]  }
0x104: {  	v3 =	vadd.f32 v5, v3;
	v5 =	vld [tilespmem:s18+$0x6450]  }
0x105: {  	v4 =	vadd.f32 v6, v4;
	v6 =	vadd.f32 v7, v10;
	v7 =	vld [tilespmem:s18+$0x6460]  }
0x106: {  	v10 =	vld [tilespmem:s18+$0x6430];
	v8 =	vadd.f32 v11, v8;
	v9 =	vadd.f32 v12, v9  }
0x107: {  	v0 =	vadd.f32 v13, v0;
	v1 =	vadd.f32 v14, v1  }
0x108: {  	v2 =	vadd.f32 v15, v2;
	v6 =	vadd.f32 v17, v6  }
0x109: {  	v3 =	vadd.f32 v16, v3;
	v5 =	vadd.f32 v5, v8  }
0x10a: {  	v7 =	vadd.f32 v7, v9;
	v1 =	vadd.f32 v6, v1  }
0x10b: {  	v4 =	vadd.f32 v10, v4;
	v2 =	vadd.f32 v5, v2  }
0x10c: {  	[tilespmem:$0x1AF80] =	vst v1;
	v1 =	vadd.f32 v7, v3  }
0x10d: {  	[tilespmem:$0x1AF90] =	vst v2;
	v0 =	vadd.f32 v0, v4  }
0x10e: {  	[tilespmem:$0x1AFA0] =	vst v1  }
0x10f: {  	s20 =	simm.s32 $0x0;
	[tilespmem:$0x1AFB0] =	vst v0  }
0x110: {  	v0 =	vld [tilespmem:s20+$0x9670]  }
0x111: {  	v1 =	vld [tilespmem:s20+$0x9600]  }
0x112: {  	v2 =	vld [tilespmem:s20+$0x9610]  }
0x113: {  	v5 =	vld [tilespmem:s20+$0x9620]  }
0x114: {  	v6 =	vld [tilespmem:s20+$0x9630]  }
0x115: {  	v8 =	vimm.f32 $0.0e+00;
	v3 =	vimm.f32 $0.0e+00;
	v7 =	vld [tilespmem:s20+$0x9640]  }
0x116: {  	v10 =	vimm.f32 $0.0e+00;
	v9 =	vimm.f32 $0.0e+00;
	v11 =	vld [tilespmem:s20+$0x9650];
	v0 =	vadd.f32 v0, v3  }
0x117: {  	s19 =	simm.s32 $0x400;
	s18 =	simm.s32 $0x80;
	v4 =	vimm.f32 $0.0e+00;
	v12 =	vld [tilespmem:s20+$0x9660];
	v1 =	vadd.f32 v1, v3;
	v2 =	vadd.f32 v2, v3  }
.LBB2_19:
0x118: {  	p0 =	sne.s32 s19, $0xC600;
	v13 =	vld [tilespmem:s18+$0x9670];
	v3 =	vadd.f32 v5, v3  }
0x119: {  	v14 =	vld [tilespmem:s18+$0x9600];
	v4 =	vadd.f32 v6, v4  }
0x11a: {  	v15 =	vld [tilespmem:s18+$0x9610];
	v10 =	vadd.f32 v7, v10  }
.Ltmp9:
0x11b: {  	v5 =	vld [tilespmem:s18+$0x9620];
	v8 =	vadd.f32 v11, v8;
	(pc) =	sbr.rel @p0 .LBB2_19-.Ltmp9, $4  }
0x11c: {  	v6 =	vld [tilespmem:s18+$0x9630];
	v9 =	vadd.f32 v12, v9  }
0x11d: {  	v7 =	vld [tilespmem:s18+$0x9640];
	v0 =	vadd.f32 v13, v0  }
0x11e: {  	v1 =	vadd.f32 v14, v1;
	v11 =	vld [tilespmem:s18+$0x9650]  }
0x11f: {  	v2 =	vadd.f32 v15, v2;
	v12 =	vld [tilespmem:s18+$0x9660];
	s18 =	sshra.s32 s19, $0x2;
	s19 =	sadd.s32 $0x200, s19  }
0x120: {  	v13 =	vld [tilespmem:s18+$0x9670]  }
0x121: {  	v14 =	vld [tilespmem:s18+$0x9600]  }
0x122: {  	v15 =	vld [tilespmem:s18+$0x9610]  }
0x123: {  	v16 =	vld [tilespmem:s18+$0x9620]  }
0x124: {  	v17 =	vld [tilespmem:s18+$0x9640]  }
0x125: {  	v3 =	vadd.f32 v5, v3;
	v59 =	vld [tilespmem:s18+$0x9650]  }
0x126: {  	v62 =	vld [tilespmem:s18+$0x9630];
	v4 =	vadd.f32 v6, v4;
	v60 =	vadd.f32 v7, v10  }
0x127: {  	v61 =	vld [tilespmem:s18+$0x9660];
	v8 =	vadd.f32 v11, v8;
	v9 =	vadd.f32 v12, v9  }
0x128: {  	v0 =	vadd.f32 v13, v0;
	v1 =	vadd.f32 v14, v1  }
0x129: {  	v2 =	vadd.f32 v15, v2;
	v6 =	vadd.f32 v17, v60  }
0x12a: {  	v3 =	vadd.f32 v16, v3;
	v5 =	vadd.f32 v59, v8  }
0x12b: {  	v4 =	vadd.f32 v62, v4;
	v1 =	vadd.f32 v6, v1  }
0x12c: {  	v7 =	vadd.f32 v61, v9;
	v2 =	vadd.f32 v5, v2  }
0x12d: {  	v0 =	vadd.f32 v0, v4;
	[tilespmem:$0x1AFC0] =	vst v1  }
0x12e: {  	s17 =	sadd.s32 $0x1, s17;
	v63 =	vadd.f32 v7, v3;
	[tilespmem:$0x1AFD0] =	vst v2  }
0x12f: {  	p0 =	sne.s32 s17, s6;
	[tilespmem:$0x1AFF0] =	vst v0  }
.Ltmp10:
0x130: {  	[tilespmem:$0x1AFE0] =	vst v63;
	(pc) =	sbr.rel @p0 .LBB2_1-.Ltmp10, $4  }
0x131: {  	[hbm4b:s5+s2] =	stream.linear.scatter [tilespmem:s16], [sflag:$0x4], $0x2000, $0x38;
	[tilespmem:$0x1B000] =	vst v63  }
0x132: {  	_ =	swait.ge [sflag:s7], $0x2000  }
0x133: {  	[sflag:s7] =	ssyncset.done $0x0  }
0x134: {  	[sflag:s7] =	ssyncadd.s32 $0xFFFFE000  }
0x135: {  	_ =	sfence.sel $0x180000  }
0x136: {  	[bflag:$0x0] =	sbarrier.arrive $0xFFFF  }
0x137: {  	p0 =	sne.s32 s1, $0x0;
	_ =	strace $0x90000047  }
0x138: {  	s0 =	sadd.s32 @!p0 $0x100000, s0;
	[bflag:$0x2] =	sbarrier.arrive $0xFFFF  }
0x139: {  	[sflag:s0] =	ssyncadd.tile.s32 @!p0 $0x1;
	_ =	shalt  }
.Lfunc_end2:
_tile_overlayer_lowered:
.L_overlay_start_2:
0x13a: {  	(tag) =	ssettag $0x2  }
0x13b: {  	s0 =	rddreg [dreg:$0x0];
	s2 =	stileid.u32  }
0x13c: {  	s1 =	rddreg [dreg:$0x1];
	p0 =	sne.s32 s2, $0x0  }
0x13d: {  	s3 =	rddreg [dreg:$0x2];
	[bflag:$0x3] =	sbarrier.arrive $0xFFFF;
	s2 =	simm.s32 @!p0 $0x1C04  }
0x13e: {  	[timem:s3], [sflag:s2] =	dma.local @!p0 [hbm:s0], s1  }
0x13f: {  	s0 =	simm.s32 @!p0 $0x4  }
0x140: {  	_ =	swait.ge @!p0 [sflag:s0], s1  }
0x141: {  	s1 =	ssub.s32 @!p0 $0x0, s1;
	[sflag:s0] =	ssyncset.done @!p0 $0x0  }
0x142: {  	[sflag:s0] =	ssyncadd.s32 @!p0 s1  }
0x143: {  	[bflag:$0x3] =	sbarrier.arrive $0xFFFF  }
0x144: {  	_ =	shalt  }

</sc_bundles>
